<compile_context>
chip_gen: v7x
topology: tpu7x:2x2x1
jax: 0.10.2.dev20260603
libtpu: 0.0.44.dev20260713+nightly
codegen_flags: <defaults>
</compile_context>

<pallas_src>
import functools
import math

import jax
import jax.numpy as jnp
from jax.experimental import pallas as pl
from jax.experimental.pallas import tpu as pltpu
from jax.experimental.pallas import tpu_sc as plsc


def _routing_kernel(x_ref, wr_ref, st_ref, fs_ref, gate_ref, lb_ref,
                    *, capacity):
    x = x_ref[...]
    wr = wr_ref[...]
    N = x.shape[0]
    E = wr.shape[0]
    C = capacity
    logits = jax.lax.dot_general(x, wr, (((1,), (1,)), ((), ())),
                                 preferred_element_type=jnp.float32)
    m = jnp.max(logits, axis=-1, keepdims=True)
    ex = jnp.exp(logits - m)
    probs = ex / jnp.sum(ex, axis=-1, keepdims=True)
    top1_val = jnp.max(probs, axis=-1, keepdims=True)
    lane = jax.lax.broadcasted_iota(jnp.int32, (N, E), 1)
    is_max = probs == top1_val
    top1_idx = jnp.min(jnp.where(is_max, lane, E), axis=-1, keepdims=True)
    onehot = (lane == top1_idx).astype(jnp.float32)

    row_i = jax.lax.broadcasted_iota(jnp.int32, (N, N), 0)
    col_i = jax.lax.broadcasted_iota(jnp.int32, (N, N), 1)
    tril = (row_i >= col_i).astype(jnp.float32)
    ranks_incl = jnp.dot(tril, onehot, preferred_element_type=jnp.float32)
    pos = ranks_incl.astype(jnp.int32) - 1

    keep = (onehot > 0.5) & (pos < C)
    fs_ref[...] = jnp.sum(jnp.where(keep, lane * C + pos, 0), axis=-1,
                          keepdims=True).astype(jnp.int32)
    gate_ref[...] = jnp.sum(jnp.where(keep, top1_val, 0.0), axis=-1,
                            keepdims=True)

    nrow = jax.lax.broadcasted_iota(jnp.int32, (1, N), 1).astype(jnp.float32)
    slot_iota = jax.lax.broadcasted_iota(jnp.int32, (N, C), 1)
    for e in range(E):
        pe = jnp.where(keep[:, e:e + 1], pos[:, e:e + 1], -1)
        M = (pe == slot_iota).astype(jnp.float32)
        row = jnp.dot(nrow, M, preferred_element_type=jnp.float32,
                      precision=jax.lax.Precision.HIGHEST)
        st_ref[e:e + 1, :] = row.astype(jnp.int32)

    counts = jnp.sum(onehot, axis=0, keepdims=True) / N
    pmean = jnp.sum(probs, axis=0, keepdims=True) / N
    lb_ref[...] = E * jnp.sum(counts * pmean, axis=-1, keepdims=True)


def _make_row_gather(B, D, dtype):
    info = plsc.get_sparse_core_info()
    nc = info.num_cores
    bpw = B // (nc * info.num_subcores)
    mesh = plsc.VectorSubcoreMesh(core_axis_name="c", subcore_axis_name="s")

    @functools.partial(
        pl.kernel, mesh=mesh,
        out_type=jax.ShapeDtypeStruct((B, D), dtype),
        scratch_types=[
            pltpu.VMEM((bpw,), jnp.int32),
            pltpu.VMEM((bpw, D), dtype),
            pltpu.SemaphoreType.DMA,
        ],
    )
    def gather_k(table_hbm, idx_hbm, out_hbm, idx_v, rows_v, sem):
        wid = jax.lax.axis_index("s") * nc + jax.lax.axis_index("c")
        base = wid * bpw
        pltpu.sync_copy(idx_hbm.at[pl.ds(base, bpw)], idx_v)
        pltpu.async_copy(table_hbm.at[idx_v], rows_v, sem).wait()
        pltpu.sync_copy(rows_v, out_hbm.at[pl.ds(base, bpw)])

    return gather_k


def _ffn_kernel(xg_ref, wg_ref, wu_ref, wd_ref, y_ref, yacc_ref, xe_ref,
                *, nf):
    f = pl.program_id(1)

    @pl.when(f == 0)
    def _cast():
        xe_ref[...] = xg_ref[0].astype(jnp.bfloat16)

    xe = xe_ref[...]
    wg = wg_ref[0].astype(jnp.bfloat16)
    wu = wu_ref[0].astype(jnp.bfloat16)
    wd = wd_ref[0].astype(jnp.bfloat16)
    g = jnp.dot(xe, wg, preferred_element_type=jnp.float32)
    u = jnp.dot(xe, wu, preferred_element_type=jnp.float32)
    h = (g * jax.lax.logistic(g) * u).astype(jnp.bfloat16)
    dy = jnp.dot(h, wd, preferred_element_type=jnp.float32)

    @pl.when(f == 0)
    def _init_y():
        yacc_ref[...] = dy

    @pl.when(f != 0)
    def _acc_y():
        yacc_ref[...] += dy

    @pl.when(f == nf - 1)
    def _writeback():
        y_ref[0] = yacc_ref[...]


def _ln_kernel(x_ref, moe_ref, gate_ref, gamma_ref, beta_ref, out_ref):
    y = moe_ref[...] * gate_ref[...] + x_ref[...]
    mu = jnp.mean(y, axis=-1, keepdims=True)
    yc = y - mu
    var = jnp.mean(yc * yc, axis=-1, keepdims=True)
    inv = jax.lax.rsqrt(var + 1e-5)
    out_ref[...] = yc * inv * gamma_ref[0] + beta_ref[0]


@jax.jit
def kernel(x, Wr, Wg, Wu, Wd, gamma, beta):
    B, T, D = x.shape
    N = B * T
    E, _, F = Wg.shape
    capacity = math.ceil(N / E * 1.25)
    C = capacity
    x_flat = x.reshape(N, D)

    st, fs, gate, lb = pl.pallas_call(
        functools.partial(_routing_kernel, capacity=C),
        out_shape=[
            jax.ShapeDtypeStruct((E, C), jnp.int32),
            jax.ShapeDtypeStruct((N, 1), jnp.int32),
            jax.ShapeDtypeStruct((N, 1), jnp.float32),
            jax.ShapeDtypeStruct((1, 1), jnp.float32),
        ],
    )(x_flat, Wr)

    slot_token = st.reshape(E * C)
    flat_slot = fs.reshape(N)

    xg = _make_row_gather(E * C, D, jnp.float32)(x_flat, slot_token)
    xg3 = xg.reshape(E, C, D)

    FB = 512
    NF = F // FB
    y3 = pl.pallas_call(
        functools.partial(_ffn_kernel, nf=NF),
        grid=(E, NF),
        in_specs=[
            pl.BlockSpec((1, C, D), lambda e, f: (e, 0, 0)),
            pl.BlockSpec((1, D, FB), lambda e, f: (e, 0, f)),
            pl.BlockSpec((1, D, FB), lambda e, f: (e, 0, f)),
            pl.BlockSpec((1, FB, D), lambda e, f: (e, f, 0)),
        ],
        out_specs=pl.BlockSpec((1, C, D), lambda e, f: (e, 0, 0)),
        out_shape=jax.ShapeDtypeStruct((E, C, D), jnp.float32),
        scratch_shapes=[
            pltpu.VMEM((C, D), jnp.float32),
            pltpu.VMEM((C, D), jnp.bfloat16),
        ],
        compiler_params=pltpu.CompilerParams(
            dimension_semantics=("arbitrary", "arbitrary"),
        ),
    )(xg3, Wg, Wu, Wd)

    moe = _make_row_gather(N, D, jnp.float32)(y3.reshape(E * C, D), flat_slot)

    out = pl.pallas_call(
        _ln_kernel,
        out_shape=jax.ShapeDtypeStruct((N, D), jnp.float32),
    )(x_flat, moe, gate, gamma.reshape(1, D), beta.reshape(1, D))

    return out.reshape(B, T, D), lb[0, 0]

# --- scband reference (transcript-rebuilt; emitter-appended) ---
"""Pipeline reference for scband-switch-mo-elayer-40355512714061 (READ-ONLY COPY).

The authoritative reference and input builder live on the scoring server;
editing this copy changes nothing except your own understanding.
"""

import jax, jax.numpy as jnp
import numpy as np
import math


def setup_inputs(seed: int = 0) -> dict:
    key = jax.random.key(seed)
    ks = jax.random.split(key, 7)
    B, T, D, F, E = 1, 2048, 1024, 4096, 8
    x = jax.random.normal(ks[0], (B, T, D), dtype=jnp.float32)
    Wr = jax.random.normal(ks[1], (E, D), dtype=jnp.float32) * 0.02
    Wg = jax.random.normal(ks[2], (E, D, F), dtype=jnp.float32) * 0.02
    Wu = jax.random.normal(ks[3], (E, D, F), dtype=jnp.float32) * 0.02
    Wd = jax.random.normal(ks[4], (E, F, D), dtype=jnp.float32) * 0.02
    gamma = jnp.ones((D,), dtype=jnp.float32)
    beta = jnp.zeros((D,), dtype=jnp.float32)
    return {"x": x, "Wr": Wr, "Wg": Wg, "Wu": Wu, "Wd": Wd, "gamma": gamma, "beta": beta}


def reference(x, Wr, Wg, Wu, Wd, gamma, beta):
    # Switch Transformer top-1 MoE, eval mode (dropout=0)
    B, T, D = x.shape
    N = B * T
    E = Wr.shape[0]
    x_flat = x.reshape(N, D)
    logits = x_flat @ Wr.T                      # router (nn.Linear, no bias)
    probs = jax.nn.softmax(logits, axis=-1)
    top1_val = jnp.max(probs, axis=-1)
    top1_idx = jnp.argmax(probs, axis=-1)
    capacity = math.ceil(N / E * 1 * 1.25)
    out = jnp.zeros((N, D), dtype=x.dtype)
    for e in range(E):
        mask = (top1_idx == e)
        pos = jnp.cumsum(mask.astype(jnp.int32)) - 1   # rank within expert e (token order)
        keep = mask & (pos < capacity)                 # capacity truncation keeps first `capacity` tokens
        scale = jnp.where(keep, top1_val, 0.0)[:, None]
        # ExpertFFN with SwiGLU: down(silu(gate(x)) * up(x))
        h = jax.nn.silu(x_flat @ Wg[e]) * (x_flat @ Wu[e])
        out = out + (h @ Wd[e]) * scale                # masks are disjoint -> add == overwrite
    expert_counts = jnp.mean(jax.nn.one_hot(top1_idx, E, dtype=jnp.float32), axis=0)
    P = jnp.mean(probs, axis=0)
    lb_loss = E * jnp.sum(expert_counts * P)
    y = out.reshape(B, T, D) + x
    mu = jnp.mean(y, axis=-1, keepdims=True)
    var = jnp.mean((y - mu) ** 2, axis=-1, keepdims=True)
    out_final = (y - mu) / jnp.sqrt(var + 1e-5) * gamma + beta
    return (out_final, lb_loss)

if __name__ == "__main__":
    import jax
    _d = setup_inputs()
    print(jax.jit(kernel)(*tuple(_d.values())))

</pallas_src>

<mosaic_0001>
#map = affine_map<(d0, d1) -> (0, 0)>
#map1 = affine_map<(d0, d1) -> (0)>
module attributes {stable_mosaic.version = 14 : i64} {
  func.func @gather_k(%arg0: i32, %arg1: i32, %arg2: memref<2048x1024xf32, #tpu.memory_space<hbm>>, %arg3: memref<2560xi32, #tpu.memory_space<hbm>>, %arg4: memref<2560x1024xf32, #tpu.memory_space<hbm>>, %arg5: memref<80xi32, #tpu.memory_space<vmem>>, %arg6: memref<80x1024xf32, #tpu.memory_space<vmem>>, %arg7: memref<!tpu.dma_semaphore, #tpu.memory_space<semaphore_mem>>) attributes {dimension_semantics = [#tpu.dimension_semantics<core_parallel>, #tpu.dimension_semantics<subcore_parallel>], iteration_bounds = array<i64: 2, 16>, scalar_prefetch = 0 : i64, scratch_operands = 3 : i64, tpu.core_type = #tpu.core_type<sc_vector_subcore>, window_params = [{transform_indices = #map}, {transform_indices = #map1}, {transform_indices = #map}]} {
    %mul3A = arith.constant 2 : i32
    %mul3A_0 = arith.muli %arg1, %mul3A : i32
    %add3A = arith.addi %mul3A_0, %arg0 : i32
    %mul3A_1 = arith.constant 80 : i32
    %mul3A_2 = arith.muli %add3A, %mul3A_1 : i32
    "tpu.region"() ({
      %run_scoped3A = tpu.sem_alloc : memref<!tpu.dma_semaphore, #tpu.memory_space<semaphore_mem>>
      %dma_start3A_7 = tpu.memref_slice %arg3[%mul3A_2] : memref<2560xi32, #tpu.memory_space<hbm>> -> memref<80xi32, #tpu.memory_space<hbm>>
      %dma_start3A_8 = tpu.memref_slice %arg3[%mul3A_2] : memref<2560xi32, #tpu.memory_space<hbm>> -> memref<80xi32, #tpu.memory_space<hbm>>
      tpu.enqueue_dma source(%dma_start3A_8 : memref<80xi32, #tpu.memory_space<hbm>>) target(%arg5 : memref<80xi32, #tpu.memory_space<vmem>>) target_semaphore(%run_scoped3A : memref<!tpu.dma_semaphore, #tpu.memory_space<semaphore_mem>>)
      %dma_wait3A_9 = tpu.memref_slice %arg3[%mul3A_2] : memref<2560xi32, #tpu.memory_space<hbm>> -> memref<80xi32, #tpu.memory_space<hbm>>
      %dma_wait3A_10 = tpu.memref_slice %arg3[%mul3A_2] : memref<2560xi32, #tpu.memory_space<hbm>> -> memref<80xi32, #tpu.memory_space<hbm>>
      tpu.wait_dma2 semaphore(%run_scoped3A : memref<!tpu.dma_semaphore, #tpu.memory_space<semaphore_mem>>) src(%dma_wait3A_10 : memref<80xi32, #tpu.memory_space<hbm>>) dst(%arg5 : memref<80xi32, #tpu.memory_space<vmem>>)
      tpu.yield
    }) : () -> ()
    %dma_start3A = arith.constant 0 : i32
    %dma_start3A_3 = arith.constant 0 : i32
    %dma_start3A_4 = tpu.memref_slice %arg2[%dma_start3A, %dma_start3A_3] : memref<2048x1024xf32, #tpu.memory_space<hbm>> -> memref<2048x1024xf32, #tpu.memory_space<hbm>>
    tpu.enqueue_indirect_dma source(%dma_start3A_4 : memref<2048x1024xf32, #tpu.memory_space<hbm>>) target(%arg6 : memref<80x1024xf32, #tpu.memory_space<vmem>>) offsets(%arg5 : memref<80xi32, #tpu.memory_space<vmem>>) semaphore(%arg7 : memref<!tpu.dma_semaphore, #tpu.memory_space<semaphore_mem>>)
    %dma_wait3A = arith.constant 0 : i32
    %dma_wait3A_5 = arith.constant 0 : i32
    %dma_wait3A_6 = tpu.memref_slice %arg2[%dma_wait3A, %dma_wait3A_5] : memref<2048x1024xf32, #tpu.memory_space<hbm>> -> memref<2048x1024xf32, #tpu.memory_space<hbm>>
    tpu.wait_indirect_dma semaphore(%arg7 : memref<!tpu.dma_semaphore, #tpu.memory_space<semaphore_mem>>) src(%dma_wait3A_6 : memref<2048x1024xf32, #tpu.memory_space<hbm>>) dst(%arg6 : memref<80x1024xf32, #tpu.memory_space<vmem>>)
    "tpu.region"() ({
      %run_scoped3A = tpu.sem_alloc : memref<!tpu.dma_semaphore, #tpu.memory_space<semaphore_mem>>
      %dma_start3A_7 = arith.constant 0 : i32
      %dma_start3A_8 = tpu.memref_slice %arg4[%mul3A_2, %dma_start3A_7] : memref<2560x1024xf32, #tpu.memory_space<hbm>> -> memref<80x1024xf32, #tpu.memory_space<hbm>>
      %dma_start3A_9 = arith.constant 0 : i32
      %dma_start3A_10 = tpu.memref_slice %arg4[%mul3A_2, %dma_start3A_9] : memref<2560x1024xf32, #tpu.memory_space<hbm>> -> memref<80x1024xf32, #tpu.memory_space<hbm>>
      tpu.enqueue_dma source(%arg6 : memref<80x1024xf32, #tpu.memory_space<vmem>>) target(%dma_start3A_10 : memref<80x1024xf32, #tpu.memory_space<hbm>>) target_semaphore(%run_scoped3A : memref<!tpu.dma_semaphore, #tpu.memory_space<semaphore_mem>>)
      %dma_wait3A_11 = arith.constant 0 : i32
      %dma_wait3A_12 = tpu.memref_slice %arg4[%mul3A_2, %dma_wait3A_11] : memref<2560x1024xf32, #tpu.memory_space<hbm>> -> memref<80x1024xf32, #tpu.memory_space<hbm>>
      %dma_wait3A_13 = arith.constant 0 : i32
      %dma_wait3A_14 = tpu.memref_slice %arg4[%mul3A_2, %dma_wait3A_13] : memref<2560x1024xf32, #tpu.memory_space<hbm>> -> memref<80x1024xf32, #tpu.memory_space<hbm>>
      tpu.wait_dma2 semaphore(%run_scoped3A : memref<!tpu.dma_semaphore, #tpu.memory_space<semaphore_mem>>) src(%arg6 : memref<80x1024xf32, #tpu.memory_space<vmem>>) dst(%dma_wait3A_14 : memref<80x1024xf32, #tpu.memory_space<hbm>>)
      tpu.yield
    }) : () -> ()
    return
  }
}

#map = affine_map<(d0, d1) -> (0, 0)>
#map1 = affine_map<(d0, d1) -> (0)>
module attributes {stable_mosaic.version = 14 : i64} {
  func.func @gather_k(%arg0: i32, %arg1: i32, %arg2: memref<2560x1024xf32, #tpu.memory_space<hbm>>, %arg3: memref<2048xi32, #tpu.memory_space<hbm>>, %arg4: memref<2048x1024xf32, #tpu.memory_space<hbm>>, %arg5: memref<64xi32, #tpu.memory_space<vmem>>, %arg6: memref<64x1024xf32, #tpu.memory_space<vmem>>, %arg7: memref<!tpu.dma_semaphore, #tpu.memory_space<semaphore_mem>>) attributes {dimension_semantics = [#tpu.dimension_semantics<core_parallel>, #tpu.dimension_semantics<subcore_parallel>], iteration_bounds = array<i64: 2, 16>, scalar_prefetch = 0 : i64, scratch_operands = 3 : i64, tpu.core_type = #tpu.core_type<sc_vector_subcore>, window_params = [{transform_indices = #map}, {transform_indices = #map1}, {transform_indices = #map}]} {
    %mul3A = arith.constant 2 : i32
    %mul3A_0 = arith.muli %arg1, %mul3A : i32
    %add3A = arith.addi %mul3A_0, %arg0 : i32
    %mul3A_1 = arith.constant 64 : i32
    %mul3A_2 = arith.muli %add3A, %mul3A_1 : i32
    "tpu.region"() ({
      %run_scoped3A = tpu.sem_alloc : memref<!tpu.dma_semaphore, #tpu.memory_space<semaphore_mem>>
      %dma_start3A_7 = tpu.memref_slice %arg3[%mul3A_2] : memref<2048xi32, #tpu.memory_space<hbm>> -> memref<64xi32, #tpu.memory_space<hbm>>
      %dma_start3A_8 = tpu.memref_slice %arg3[%mul3A_2] : memref<2048xi32, #tpu.memory_space<hbm>> -> memref<64xi32, #tpu.memory_space<hbm>>
      tpu.enqueue_dma source(%dma_start3A_8 : memref<64xi32, #tpu.memory_space<hbm>>) target(%arg5 : memref<64xi32, #tpu.memory_space<vmem>>) target_semaphore(%run_scoped3A : memref<!tpu.dma_semaphore, #tpu.memory_space<semaphore_mem>>)
      %dma_wait3A_9 = tpu.memref_slice %arg3[%mul3A_2] : memref<2048xi32, #tpu.memory_space<hbm>> -> memref<64xi32, #tpu.memory_space<hbm>>
      %dma_wait3A_10 = tpu.memref_slice %arg3[%mul3A_2] : memref<2048xi32, #tpu.memory_space<hbm>> -> memref<64xi32, #tpu.memory_space<hbm>>
      tpu.wait_dma2 semaphore(%run_scoped3A : memref<!tpu.dma_semaphore, #tpu.memory_space<semaphore_mem>>) src(%dma_wait3A_10 : memref<64xi32, #tpu.memory_space<hbm>>) dst(%arg5 : memref<64xi32, #tpu.memory_space<vmem>>)
      tpu.yield
    }) : () -> ()
    %dma_start3A = arith.constant 0 : i32
    %dma_start3A_3 = arith.constant 0 : i32
    %dma_start3A_4 = tpu.memref_slice %arg2[%dma_start3A, %dma_start3A_3] : memref<2560x1024xf32, #tpu.memory_space<hbm>> -> memref<2560x1024xf32, #tpu.memory_space<hbm>>
    tpu.enqueue_indirect_dma source(%dma_start3A_4 : memref<2560x1024xf32, #tpu.memory_space<hbm>>) target(%arg6 : memref<64x1024xf32, #tpu.memory_space<vmem>>) offsets(%arg5 : memref<64xi32, #tpu.memory_space<vmem>>) semaphore(%arg7 : memref<!tpu.dma_semaphore, #tpu.memory_space<semaphore_mem>>)
    %dma_wait3A = arith.constant 0 : i32
    %dma_wait3A_5 = arith.constant 0 : i32
    %dma_wait3A_6 = tpu.memref_slice %arg2[%dma_wait3A, %dma_wait3A_5] : memref<2560x1024xf32, #tpu.memory_space<hbm>> -> memref<2560x1024xf32, #tpu.memory_space<hbm>>
    tpu.wait_indirect_dma semaphore(%arg7 : memref<!tpu.dma_semaphore, #tpu.memory_space<semaphore_mem>>) src(%dma_wait3A_6 : memref<2560x1024xf32, #tpu.memory_space<hbm>>) dst(%arg6 : memref<64x1024xf32, #tpu.memory_space<vmem>>)
    "tpu.region"() ({
      %run_scoped3A = tpu.sem_alloc : memref<!tpu.dma_semaphore, #tpu.memory_space<semaphore_mem>>
      %dma_start3A_7 = arith.constant 0 : i32
      %dma_start3A_8 = tpu.memref_slice %arg4[%mul3A_2, %dma_start3A_7] : memref<2048x1024xf32, #tpu.memory_space<hbm>> -> memref<64x1024xf32, #tpu.memory_space<hbm>>
      %dma_start3A_9 = arith.constant 0 : i32
      %dma_start3A_10 = tpu.memref_slice %arg4[%mul3A_2, %dma_start3A_9] : memref<2048x1024xf32, #tpu.memory_space<hbm>> -> memref<64x1024xf32, #tpu.memory_space<hbm>>
      tpu.enqueue_dma source(%arg6 : memref<64x1024xf32, #tpu.memory_space<vmem>>) target(%dma_start3A_10 : memref<64x1024xf32, #tpu.memory_space<hbm>>) target_semaphore(%run_scoped3A : memref<!tpu.dma_semaphore, #tpu.memory_space<semaphore_mem>>)
      %dma_wait3A_11 = arith.constant 0 : i32
      %dma_wait3A_12 = tpu.memref_slice %arg4[%mul3A_2, %dma_wait3A_11] : memref<2048x1024xf32, #tpu.memory_space<hbm>> -> memref<64x1024xf32, #tpu.memory_space<hbm>>
      %dma_wait3A_13 = arith.constant 0 : i32
      %dma_wait3A_14 = tpu.memref_slice %arg4[%mul3A_2, %dma_wait3A_13] : memref<2048x1024xf32, #tpu.memory_space<hbm>> -> memref<64x1024xf32, #tpu.memory_space<hbm>>
      tpu.wait_dma2 semaphore(%run_scoped3A : memref<!tpu.dma_semaphore, #tpu.memory_space<semaphore_mem>>) src(%arg6 : memref<64x1024xf32, #tpu.memory_space<vmem>>) dst(%dma_wait3A_14 : memref<64x1024xf32, #tpu.memory_space<hbm>>)
      tpu.yield
    }) : () -> ()
    return
  }
}

module attributes {stable_mosaic.version = 14 : i64} {
  func.func @_ffn_kernel(%arg0: i32, %arg1: i32, %arg2: memref<1x320x1024xf32, #tpu.memory_space<vmem>>, %arg3: memref<1x1024x512xf32, #tpu.memory_space<vmem>>, %arg4: memref<1x1024x512xf32, #tpu.memory_space<vmem>>, %arg5: memref<1x512x1024xf32, #tpu.memory_space<vmem>>, %arg6: memref<1x320x1024xf32, #tpu.memory_space<vmem>>, %arg7: memref<320x1024xf32, #tpu.memory_space<vmem>>, %arg8: memref<320x1024xbf16, #tpu.memory_space<vmem>>) attributes {dimension_semantics = [#tpu.dimension_semantics<arbitrary>, #tpu.dimension_semantics<arbitrary>], iteration_bounds = array<i64: 8, 8>, scalar_prefetch = 0 : i64, scratch_operands = 2 : i64, tpu.core_type = #tpu.core_type<tc>, window_params = [{transform_indices = @transform_0, window_bounds = array<i64: 1, 320, 1024>}, {transform_indices = @transform_1, window_bounds = array<i64: 1, 1024, 512>}, {transform_indices = @transform_2, window_bounds = array<i64: 1, 1024, 512>}, {transform_indices = @transform_3, window_bounds = array<i64: 1, 512, 1024>}, {transform_indices = @transform_4, window_bounds = array<i64: 1, 320, 1024>}]} {
    %eq3A = arith.constant 0 : i32
    %eq3A_0 = arith.cmpi eq, %arg1, %eq3A : i32
    %convert_element_type3A = arith.extui %eq3A_0 : i1 to i32
    %cond3A = arith.constant 0 : i32
    %cond3A_1 = arith.cmpi ne, %convert_element_type3A, %cond3A : i32
    scf.if %cond3A_1 {
      %get3A_48 = arith.constant 0 : index
      %get3A_49 = arith.constant 0 : index
      %get3A_50 = arith.constant 0 : index
      %get3A_51 = vector.load %arg2[%get3A_48, %get3A_49, %get3A_50] : memref<1x320x1024xf32, #tpu.memory_space<vmem>>, vector<1x320x1024xf32>
      %get3A_52 = vector.shape_cast %get3A_51 : vector<1x320x1024xf32> to vector<320x1024xf32>
      %convert_element_type3A_53 = arith.truncf %get3A_52 : vector<320x1024xf32> to vector<320x1024xbf16>
      %swap3A = arith.constant 0 : index
      %swap3A_54 = arith.constant 0 : index
      %swap3A_55 = vector.load %arg8[%swap3A, %swap3A_54] : memref<320x1024xbf16, #tpu.memory_space<vmem>>, vector<320x1024xbf16>
      tpu.vector_store %arg8[%swap3A, %swap3A_54], %convert_element_type3A_53 {strides = array<i32>} : memref<320x1024xbf16, #tpu.memory_space<vmem>>, vector<320x1024xbf16>,
    } else {
    }
    %get3A = arith.constant 0 : index
    %get3A_2 = arith.constant 0 : index
    %get3A_3 = vector.load %arg8[%get3A, %get3A_2] : memref<320x1024xbf16, #tpu.memory_space<vmem>>, vector<320x1024xbf16>
    %get3A_4 = arith.constant 0 : index
    %get3A_5 = arith.constant 0 : index
    %get3A_6 = arith.constant 0 : index
    %get3A_7 = vector.load %arg3[%get3A_4, %get3A_5, %get3A_6] : memref<1x1024x512xf32, #tpu.memory_space<vmem>>, vector<1x1024x512xf32>
    %get3A_8 = vector.shape_cast %get3A_7 : vector<1x1024x512xf32> to vector<1024x512xf32>
    %convert_element_type3A_9 = arith.truncf %get3A_8 : vector<1024x512xf32> to vector<1024x512xbf16>
    %get3A_10 = arith.constant 0 : index
    %get3A_11 = arith.constant 0 : index
    %get3A_12 = arith.constant 0 : index
    %get3A_13 = vector.load %arg4[%get3A_10, %get3A_11, %get3A_12] : memref<1x1024x512xf32, #tpu.memory_space<vmem>>, vector<1x1024x512xf32>
    %get3A_14 = vector.shape_cast %get3A_13 : vector<1x1024x512xf32> to vector<1024x512xf32>
    %convert_element_type3A_15 = arith.truncf %get3A_14 : vector<1024x512xf32> to vector<1024x512xbf16>
    %get3A_16 = arith.constant 0 : index
    %get3A_17 = arith.constant 0 : index
    %get3A_18 = arith.constant 0 : index
    %get3A_19 = vector.load %arg5[%get3A_16, %get3A_17, %get3A_18] : memref<1x512x1024xf32, #tpu.memory_space<vmem>>, vector<1x512x1024xf32>
    %get3A_20 = vector.shape_cast %get3A_19 : vector<1x512x1024xf32> to vector<512x1024xf32>
    %convert_element_type3A_21 = arith.truncf %get3A_20 : vector<512x1024xf32> to vector<512x1024xbf16>
    %dot_general3A = arith.constant dense<0.000000e+00> : vector<320x512xf32>
    %dot_general3A_22 = tpu.matmul %get3A_3, %convert_element_type3A_9, %dot_general3A {dimension_numbers = #tpu.dot_dimension_numbers<[1], [0], [0], [1], [0, 0, 1, 1], [], []>, transpose_lhs_hint = false} : vector<320x1024xbf16>, vector<1024x512xbf16>, vector<320x512xf32> -> vector<320x512xf32>
    %dot_general3A_23 = arith.constant dense<0.000000e+00> : vector<320x512xf32>
    %dot_general3A_24 = tpu.matmul %get3A_3, %convert_element_type3A_15, %dot_general3A_23 {dimension_numbers = #tpu.dot_dimension_numbers<[1], [0], [0], [1], [0, 0, 1, 1], [], []>, transpose_lhs_hint = false} : vector<320x1024xbf16>, vector<1024x512xbf16>, vector<320x512xf32> -> vector<320x512xf32>
    %logistic3A = arith.negf %dot_general3A_22 : vector<320x512xf32>
    %logistic3A_25 = math.exp %logistic3A : vector<320x512xf32>
    %logistic3A_26 = arith.constant 1.000000e+00 : f32
    %logistic3A_27 = vector.broadcast %logistic3A_26 : f32 to vector<320x512xf32>
    %logistic3A_28 = arith.addf %logistic3A_27, %logistic3A_25 : vector<320x512xf32>
    %logistic3A_29 = arith.divf %logistic3A_27, %logistic3A_28 : vector<320x512xf32>
    %mul3A = arith.mulf %dot_general3A_22, %logistic3A_29 : vector<320x512xf32>
    %mul3A_30 = arith.mulf %mul3A, %dot_general3A_24 : vector<320x512xf32>
    %convert_element_type3A_31 = arith.truncf %mul3A_30 : vector<320x512xf32> to vector<320x512xbf16>
    %dot_general3A_32 = arith.constant dense<0.000000e+00> : vector<320x1024xf32>
    %dot_general3A_33 = tpu.matmul %convert_element_type3A_31, %convert_element_type3A_21, %dot_general3A_32 {dimension_numbers = #tpu.dot_dimension_numbers<[1], [0], [0], [1], [0, 0, 1, 1], [], []>, transpose_lhs_hint = false} : vector<320x512xbf16>, vector<512x1024xbf16>, vector<320x1024xf32> -> vector<320x1024xf32>
    %eq3A_34 = arith.constant 0 : i32
    %eq3A_35 = arith.cmpi eq, %arg1, %eq3A_34 : i32
    %convert_element_type3A_36 = arith.extui %eq3A_35 : i1 to i32
    %cond3A_37 = arith.constant 0 : i32
    %cond3A_38 = arith.cmpi ne, %convert_element_type3A_36, %cond3A_37 : i32
    scf.if %cond3A_38 {
      %swap3A = arith.constant 0 : index
      %swap3A_48 = arith.constant 0 : index
      %swap3A_49 = vector.load %arg7[%swap3A, %swap3A_48] : memref<320x1024xf32, #tpu.memory_space<vmem>>, vector<320x1024xf32>
      tpu.vector_store %arg7[%swap3A, %swap3A_48], %dot_general3A_33 {strides = array<i32>} : memref<320x1024xf32, #tpu.memory_space<vmem>>, vector<320x1024xf32>,
    } else {
    }
    %ne3A = arith.constant 0 : i32
    %ne3A_39 = arith.cmpi ne, %arg1, %ne3A : i32
    %convert_element_type3A_40 = arith.extui %ne3A_39 : i1 to i32
    %cond3A_41 = arith.constant 0 : i32
    %cond3A_42 = arith.cmpi ne, %convert_element_type3A_40, %cond3A_41 : i32
    scf.if %cond3A_42 {
      %get3A_48 = arith.constant 0 : index
      %get3A_49 = arith.constant 0 : index
      %get3A_50 = vector.load %arg7[%get3A_48, %get3A_49] : memref<320x1024xf32, #tpu.memory_space<vmem>>, vector<320x1024xf32>
      %add3A = arith.addf %get3A_50, %dot_general3A_33 : vector<320x1024xf32>
      %swap3A = arith.constant 0 : index
      %swap3A_51 = arith.constant 0 : index
      %swap3A_52 = vector.load %arg7[%swap3A, %swap3A_51] : memref<320x1024xf32, #tpu.memory_space<vmem>>, vector<320x1024xf32>
      tpu.vector_store %arg7[%swap3A, %swap3A_51], %add3A {strides = array<i32>} : memref<320x1024xf32, #tpu.memory_space<vmem>>, vector<320x1024xf32>,
    } else {
    }
    %eq3A_43 = arith.constant 7 : i32
    %eq3A_44 = arith.cmpi eq, %arg1, %eq3A_43 : i32
    %convert_element_type3A_45 = arith.extui %eq3A_44 : i1 to i32
    %cond3A_46 = arith.constant 0 : i32
    %cond3A_47 = arith.cmpi ne, %convert_element_type3A_45, %cond3A_46 : i32
    scf.if %cond3A_47 {
      %get3A_48 = arith.constant 0 : index
      %get3A_49 = arith.constant 0 : index
      %get3A_50 = vector.load %arg7[%get3A_48, %get3A_49] : memref<320x1024xf32, #tpu.memory_space<vmem>>, vector<320x1024xf32>
      %swap3A = arith.constant 0 : index
      %swap3A_51 = arith.constant 0 : index
      %swap3A_52 = arith.constant 0 : index
      %swap3A_53 = vector.load %arg6[%swap3A, %swap3A_51, %swap3A_52] : memref<1x320x1024xf32, #tpu.memory_space<vmem>>, vector<1x320x1024xf32>
      %swap3A_54 = vector.shape_cast %swap3A_53 : vector<1x320x1024xf32> to vector<320x1024xf32>
      %swap3A_55 = vector.shape_cast %get3A_50 : vector<320x1024xf32> to vector<1x320x1024xf32>
      tpu.vector_store %arg6[%swap3A, %swap3A_51, %swap3A_52], %swap3A_55 {strides = array<i32>} : memref<1x320x1024xf32, #tpu.memory_space<vmem>>, vector<1x320x1024xf32>,
    } else {
    }
    return
  }
  func.func @transform_0(%arg0: i32, %arg1: i32) -> (i32, i32, i32) {
    %c0_i32 = arith.constant 0 : i32
    %c0_i32_0 = arith.constant 0 : i32
    %c0_i32_1 = arith.constant 0 : i32
    return %arg0, %c0_i32, %c0_i32_0 : i32, i32, i32
  }
  func.func @transform_1(%arg0: i32, %arg1: i32) -> (i32, i32, i32) {
    %c0_i32 = arith.constant 0 : i32
    %c0_i32_0 = arith.constant 0 : i32
    return %arg0, %c0_i32, %arg1 : i32, i32, i32
  }
  func.func @transform_2(%arg0: i32, %arg1: i32) -> (i32, i32, i32) {
    %c0_i32 = arith.constant 0 : i32
    %c0_i32_0 = arith.constant 0 : i32
    return %arg0, %c0_i32, %arg1 : i32, i32, i32
  }
  func.func @transform_3(%arg0: i32, %arg1: i32) -> (i32, i32, i32) {
    %c0_i32 = arith.constant 0 : i32
    %c0_i32_0 = arith.constant 0 : i32
    return %arg0, %arg1, %c0_i32 : i32, i32, i32
  }
  func.func @transform_4(%arg0: i32, %arg1: i32) -> (i32, i32, i32) {
    %c0_i32 = arith.constant 0 : i32
    %c0_i32_0 = arith.constant 0 : i32
    %c0_i32_1 = arith.constant 0 : i32
    return %arg0, %c0_i32, %c0_i32_0 : i32, i32, i32
  }
}

module attributes {stable_mosaic.version = 14 : i64} {
  func.func @_routing_kernel(%arg0: memref<2048x1024xf32, #tpu.memory_space<vmem>>, %arg1: memref<8x1024xf32, #tpu.memory_space<vmem>>, %arg2: memref<8x320xi32, #tpu.memory_space<vmem>>, %arg3: memref<2048x1xi32, #tpu.memory_space<vmem>>, %arg4: memref<2048x1xf32, #tpu.memory_space<vmem>>, %arg5: memref<1x1xf32, #tpu.memory_space<vmem>>) attributes {dimension_semantics = [], scalar_prefetch = 0 : i64, scratch_operands = 0 : i64, tpu.core_type = #tpu.core_type<tc>} {
    %get3A = arith.constant 0 : index
    %get3A_0 = arith.constant 0 : index
    %get3A_1 = vector.load %arg0[%get3A, %get3A_0] : memref<2048x1024xf32, #tpu.memory_space<vmem>>, vector<2048x1024xf32>
    %get3A_2 = arith.constant 0 : index
    %get3A_3 = arith.constant 0 : index
    %get3A_4 = vector.load %arg1[%get3A_2, %get3A_3] : memref<8x1024xf32, #tpu.memory_space<vmem>>, vector<8x1024xf32>
    %dot_general3A = arith.constant dense<0.000000e+00> : vector<2048x8xf32>
    %dot_general3A_5 = tpu.matmul %get3A_1, %get3A_4, %dot_general3A {dimension_numbers = #tpu.dot_dimension_numbers<[1], [1], [0], [0], [0, 0, 1, 0], [], []>, transpose_lhs_hint = false} : vector<2048x1024xf32>, vector<8x1024xf32>, vector<2048x8xf32> -> vector<2048x8xf32>
    %reduce_max3A = arith.constant dense<0xFF800000> : vector<2048xf32>
    %reduce_max3A_6 = vector.multi_reduction <maximumf>, %dot_general3A_5, %reduce_max3A [1] : vector<2048x8xf32> to vector<2048xf32>
    %broadcast_in_dim3A = vector.shape_cast %reduce_max3A_6 : vector<2048xf32> to vector<2048x1xf32>
    %sub3A = vector.broadcast %broadcast_in_dim3A : vector<2048x1xf32> to vector<2048x8xf32>
    %sub3A_7 = arith.subf %dot_general3A_5, %sub3A : vector<2048x8xf32>
    %exp3A = math.exp %sub3A_7 : vector<2048x8xf32>
    %reduce_sum3A = arith.constant dense<0.000000e+00> : vector<2048xf32>
    %reduce_sum3A_8 = vector.multi_reduction <add>, %exp3A, %reduce_sum3A [1] : vector<2048x8xf32> to vector<2048xf32>
    %broadcast_in_dim3A_9 = vector.shape_cast %reduce_sum3A_8 : vector<2048xf32> to vector<2048x1xf32>
    %div3A = vector.broadcast %broadcast_in_dim3A_9 : vector<2048x1xf32> to vector<2048x8xf32>
    %div3A_10 = arith.divf %exp3A, %div3A : vector<2048x8xf32>
    %reduce_max3A_11 = arith.constant dense<0xFF800000> : vector<2048xf32>
    %reduce_max3A_12 = vector.multi_reduction <maximumf>, %div3A_10, %reduce_max3A_11 [1] : vector<2048x8xf32> to vector<2048xf32>
    %broadcast_in_dim3A_13 = vector.shape_cast %reduce_max3A_12 : vector<2048xf32> to vector<2048x1xf32>
    %iota3A = tpu.iota {dimensions = array<i32: 1>} : vector<2048x8xi32>
    %eq3A = vector.broadcast %broadcast_in_dim3A_13 : vector<2048x1xf32> to vector<2048x8xf32>
    %eq3A_14 = arith.cmpf oeq, %div3A_10, %eq3A : vector<2048x8xf32>
    %jit3A = arith.constant 8 : i32
    %broadcast_in_dim3A_15 = vector.broadcast %jit3A : i32 to vector<2048x8xi32>
    %select_n3A = arith.select %eq3A_14, %iota3A, %broadcast_in_dim3A_15 : vector<2048x8xi1>, vector<2048x8xi32>
    %reduce_min3A = arith.constant dense<2147483647> : vector<2048xi32>
    %reduce_min3A_16 = vector.multi_reduction <minsi>, %select_n3A, %reduce_min3A [1] : vector<2048x8xi32> to vector<2048xi32>
    %broadcast_in_dim3A_17 = vector.shape_cast %reduce_min3A_16 : vector<2048xi32> to vector<2048x1xi32>
    %eq3A_18 = vector.broadcast %broadcast_in_dim3A_17 : vector<2048x1xi32> to vector<2048x8xi32>
    %eq3A_19 = arith.cmpi eq, %iota3A, %eq3A_18 : vector<2048x8xi32>
    %convert_element_type3A = arith.extui %eq3A_19 : vector<2048x8xi1> to vector<2048x8xi32>
    %convert_element_type3A_20 = arith.sitofp %convert_element_type3A : vector<2048x8xi32> to vector<2048x8xf32>
    %iota3A_21 = tpu.iota {dimensions = array<i32: 0>} : vector<2048x2048xi32>
    %iota3A_22 = tpu.iota {dimensions = array<i32: 1>} : vector<2048x2048xi32>
    %ge3A = arith.cmpi sge, %iota3A_21, %iota3A_22 : vector<2048x2048xi32>
    %convert_element_type3A_23 = arith.extui %ge3A : vector<2048x2048xi1> to vector<2048x2048xi32>
    %convert_element_type3A_24 = arith.sitofp %convert_element_type3A_23 : vector<2048x2048xi32> to vector<2048x2048xf32>
    %dot_general3A_25 = arith.constant dense<0.000000e+00> : vector<2048x8xf32>
    %dot_general3A_26 = tpu.matmul %convert_element_type3A_24, %convert_element_type3A_20, %dot_general3A_25 {dimension_numbers = #tpu.dot_dimension_numbers<[1], [0], [0], [1], [0, 0, 1, 1], [], []>, transpose_lhs_hint = false} : vector<2048x2048xf32>, vector<2048x8xf32>, vector<2048x8xf32> -> vector<2048x8xf32>
    %convert_element_type3A_27 = arith.fptosi %dot_general3A_26 : vector<2048x8xf32> to vector<2048x8xi32>
    %sub3A_28 = arith.constant 1 : i32
    %sub3A_29 = vector.broadcast %sub3A_28 : i32 to vector<2048x8xi32>
    %sub3A_30 = arith.subi %convert_element_type3A_27, %sub3A_29 : vector<2048x8xi32>
    %gt3A = arith.constant 5.000000e-01 : f32
    %gt3A_31 = vector.broadcast %gt3A : f32 to vector<2048x8xf32>
    %gt3A_32 = arith.cmpf ogt, %convert_element_type3A_20, %gt3A_31 : vector<2048x8xf32>
    %lt3A = arith.constant 320 : i32
    %lt3A_33 = vector.broadcast %lt3A : i32 to vector<2048x8xi32>
    %lt3A_34 = arith.cmpi slt, %sub3A_30, %lt3A_33 : vector<2048x8xi32>
    %and3A = arith.andi %gt3A_32, %lt3A_34 : vector<2048x8xi1>
    %mul3A = arith.constant 320 : i32
    %mul3A_35 = vector.broadcast %mul3A : i32 to vector<2048x8xi32>
    %mul3A_36 = arith.muli %iota3A, %mul3A_35 : vector<2048x8xi32>
    %add3A = arith.addi %mul3A_36, %sub3A_30 : vector<2048x8xi32>
    %jit3A_37 = arith.constant 0 : i32
    %broadcast_in_dim3A_38 = vector.broadcast %jit3A_37 : i32 to vector<2048x8xi32>
    %select_n3A_39 = arith.select %and3A, %add3A, %broadcast_in_dim3A_38 : vector<2048x8xi1>, vector<2048x8xi32>
    %reduce_sum3A_40 = arith.constant dense<0> : vector<2048xi32>
    %reduce_sum3A_41 = vector.multi_reduction <add>, %select_n3A_39, %reduce_sum3A_40 [1] : vector<2048x8xi32> to vector<2048xi32>
    %broadcast_in_dim3A_42 = vector.shape_cast %reduce_sum3A_41 : vector<2048xi32> to vector<2048x1xi32>
    %swap3A = arith.constant 0 : index
    %swap3A_43 = arith.constant 0 : index
    %swap3A_44 = vector.load %arg3[%swap3A, %swap3A_43] : memref<2048x1xi32, #tpu.memory_space<vmem>>, vector<2048x1xi32>
    tpu.vector_store %arg3[%swap3A, %swap3A_43], %broadcast_in_dim3A_42 {strides = array<i32>} : memref<2048x1xi32, #tpu.memory_space<vmem>>, vector<2048x1xi32>,
    %jit3A_45 = arith.constant 0.000000e+00 : f32
    %broadcast_in_dim3A_46 = vector.shape_cast %broadcast_in_dim3A_13 : vector<2048x1xf32> to vector<2048x1xf32>
    %broadcast_in_dim3A_47 = vector.broadcast %broadcast_in_dim3A_46 : vector<2048x1xf32> to vector<2048x8xf32>
    %broadcast_in_dim3A_48 = vector.broadcast %jit3A_45 : f32 to vector<2048x8xf32>
    %select_n3A_49 = arith.select %and3A, %broadcast_in_dim3A_47, %broadcast_in_dim3A_48 : vector<2048x8xi1>, vector<2048x8xf32>
    %reduce_sum3A_50 = arith.constant dense<0.000000e+00> : vector<2048xf32>
    %reduce_sum3A_51 = vector.multi_reduction <add>, %select_n3A_49, %reduce_sum3A_50 [1] : vector<2048x8xf32> to vector<2048xf32>
    %broadcast_in_dim3A_52 = vector.shape_cast %reduce_sum3A_51 : vector<2048xf32> to vector<2048x1xf32>
    %swap3A_53 = arith.constant 0 : index
    %swap3A_54 = arith.constant 0 : index
    %swap3A_55 = vector.load %arg4[%swap3A_53, %swap3A_54] : memref<2048x1xf32, #tpu.memory_space<vmem>>, vector<2048x1xf32>
    tpu.vector_store %arg4[%swap3A_53, %swap3A_54], %broadcast_in_dim3A_52 {strides = array<i32>} : memref<2048x1xf32, #tpu.memory_space<vmem>>, vector<2048x1xf32>,
    %iota3A_56 = tpu.iota {dimensions = array<i32: 1>} : vector<1x2048xi32>
    %convert_element_type3A_57 = arith.sitofp %iota3A_56 : vector<1x2048xi32> to vector<1x2048xf32>
    %iota3A_58 = tpu.iota {dimensions = array<i32: 1>} : vector<2048x320xi32>
    %slice3A = vector.extract_strided_slice %and3A {offsets = [0, 0], sizes = [2048, 1], strides = [1, 1]} : vector<2048x8xi1> to vector<2048x1xi1>
    %slice3A_59 = vector.extract_strided_slice %sub3A_30 {offsets = [0, 0], sizes = [2048, 1], strides = [1, 1]} : vector<2048x8xi32> to vector<2048x1xi32>
    %jit3A_60 = arith.constant -1 : i32
    %broadcast_in_dim3A_61 = vector.broadcast %jit3A_60 : i32 to vector<2048x1xi32>
    %select_n3A_62 = arith.select %slice3A, %slice3A_59, %broadcast_in_dim3A_61 : vector<2048x1xi1>, vector<2048x1xi32>
    %eq3A_63 = vector.broadcast %select_n3A_62 : vector<2048x1xi32> to vector<2048x320xi32>
    %eq3A_64 = arith.cmpi eq, %eq3A_63, %iota3A_58 : vector<2048x320xi32>
    %convert_element_type3A_65 = arith.extui %eq3A_64 : vector<2048x320xi1> to vector<2048x320xi32>
    %convert_element_type3A_66 = arith.sitofp %convert_element_type3A_65 : vector<2048x320xi32> to vector<2048x320xf32>
    %dot_general3A_67 = arith.constant dense<0.000000e+00> : vector<1x320xf32>
    %dot_general3A_68 = tpu.matmul %convert_element_type3A_57, %convert_element_type3A_66, %dot_general3A_67 {dimension_numbers = #tpu.dot_dimension_numbers<[1], [0], [0], [1], [0, 0, 1, 1], [], []>, precision = #tpu.contract_precision<fp32>, transpose_lhs_hint = false} : vector<1x2048xf32>, vector<2048x320xf32>, vector<1x320xf32> -> vector<1x320xf32>
    %convert_element_type3A_69 = arith.fptosi %dot_general3A_68 : vector<1x320xf32> to vector<1x320xi32>
    %swap3A_70 = arith.constant 0 : index
    %swap3A_71 = arith.constant 0 : index
    %swap3A_72 = vector.load %arg2[%swap3A_70, %swap3A_71] : memref<8x320xi32, #tpu.memory_space<vmem>>, vector<1x320xi32>
    tpu.vector_store %arg2[%swap3A_70, %swap3A_71], %convert_element_type3A_69 {strides = array<i32>} : memref<8x320xi32, #tpu.memory_space<vmem>>, vector<1x320xi32>,
    %slice3A_73 = vector.extract_strided_slice %and3A {offsets = [0, 1], sizes = [2048, 1], strides = [1, 1]} : vector<2048x8xi1> to vector<2048x1xi1>
    %slice3A_74 = vector.extract_strided_slice %sub3A_30 {offsets = [0, 1], sizes = [2048, 1], strides = [1, 1]} : vector<2048x8xi32> to vector<2048x1xi32>
    %jit3A_75 = arith.constant -1 : i32
    %broadcast_in_dim3A_76 = vector.broadcast %jit3A_75 : i32 to vector<2048x1xi32>
    %select_n3A_77 = arith.select %slice3A_73, %slice3A_74, %broadcast_in_dim3A_76 : vector<2048x1xi1>, vector<2048x1xi32>
    %eq3A_78 = vector.broadcast %select_n3A_77 : vector<2048x1xi32> to vector<2048x320xi32>
    %eq3A_79 = arith.cmpi eq, %eq3A_78, %iota3A_58 : vector<2048x320xi32>
    %convert_element_type3A_80 = arith.extui %eq3A_79 : vector<2048x320xi1> to vector<2048x320xi32>
    %convert_element_type3A_81 = arith.sitofp %convert_element_type3A_80 : vector<2048x320xi32> to vector<2048x320xf32>
    %dot_general3A_82 = arith.constant dense<0.000000e+00> : vector<1x320xf32>
    %dot_general3A_83 = tpu.matmul %convert_element_type3A_57, %convert_element_type3A_81, %dot_general3A_82 {dimension_numbers = #tpu.dot_dimension_numbers<[1], [0], [0], [1], [0, 0, 1, 1], [], []>, precision = #tpu.contract_precision<fp32>, transpose_lhs_hint = false} : vector<1x2048xf32>, vector<2048x320xf32>, vector<1x320xf32> -> vector<1x320xf32>
    %convert_element_type3A_84 = arith.fptosi %dot_general3A_83 : vector<1x320xf32> to vector<1x320xi32>
    %swap3A_85 = arith.constant 1 : index
    %swap3A_86 = arith.constant 0 : index
    %swap3A_87 = vector.load %arg2[%swap3A_85, %swap3A_86] : memref<8x320xi32, #tpu.memory_space<vmem>>, vector<1x320xi32>
    tpu.vector_store %arg2[%swap3A_85, %swap3A_86], %convert_element_type3A_84 {strides = array<i32>} : memref<8x320xi32, #tpu.memory_space<vmem>>, vector<1x320xi32>,
    %slice3A_88 = vector.extract_strided_slice %and3A {offsets = [0, 2], sizes = [2048, 1], strides = [1, 1]} : vector<2048x8xi1> to vector<2048x1xi1>
    %slice3A_89 = vector.extract_strided_slice %sub3A_30 {offsets = [0, 2], sizes = [2048, 1], strides = [1, 1]} : vector<2048x8xi32> to vector<2048x1xi32>
    %jit3A_90 = arith.constant -1 : i32
    %broadcast_in_dim3A_91 = vector.broadcast %jit3A_90 : i32 to vector<2048x1xi32>
    %select_n3A_92 = arith.select %slice3A_88, %slice3A_89, %broadcast_in_dim3A_91 : vector<2048x1xi1>, vector<2048x1xi32>
    %eq3A_93 = vector.broadcast %select_n3A_92 : vector<2048x1xi32> to vector<2048x320xi32>
    %eq3A_94 = arith.cmpi eq, %eq3A_93, %iota3A_58 : vector<2048x320xi32>
    %convert_element_type3A_95 = arith.extui %eq3A_94 : vector<2048x320xi1> to vector<2048x320xi32>
    %convert_element_type3A_96 = arith.sitofp %convert_element_type3A_95 : vector<2048x320xi32> to vector<2048x320xf32>
    %dot_general3A_97 = arith.constant dense<0.000000e+00> : vector<1x320xf32>
    %dot_general3A_98 = tpu.matmul %convert_element_type3A_57, %convert_element_type3A_96, %dot_general3A_97 {dimension_numbers = #tpu.dot_dimension_numbers<[1], [0], [0], [1], [0, 0, 1, 1], [], []>, precision = #tpu.contract_precision<fp32>, transpose_lhs_hint = false} : vector<1x2048xf32>, vector<2048x320xf32>, vector<1x320xf32> -> vector<1x320xf32>
    %convert_element_type3A_99 = arith.fptosi %dot_general3A_98 : vector<1x320xf32> to vector<1x320xi32>
    %swap3A_100 = arith.constant 2 : index
    %swap3A_101 = arith.constant 0 : index
    %swap3A_102 = vector.load %arg2[%swap3A_100, %swap3A_101] : memref<8x320xi32, #tpu.memory_space<vmem>>, vector<1x320xi32>
    tpu.vector_store %arg2[%swap3A_100, %swap3A_101], %convert_element_type3A_99 {strides = array<i32>} : memref<8x320xi32, #tpu.memory_space<vmem>>, vector<1x320xi32>,
    %slice3A_103 = vector.extract_strided_slice %and3A {offsets = [0, 3], sizes = [2048, 1], strides = [1, 1]} : vector<2048x8xi1> to vector<2048x1xi1>
    %slice3A_104 = vector.extract_strided_slice %sub3A_30 {offsets = [0, 3], sizes = [2048, 1], strides = [1, 1]} : vector<2048x8xi32> to vector<2048x1xi32>
    %jit3A_105 = arith.constant -1 : i32
    %broadcast_in_dim3A_106 = vector.broadcast %jit3A_105 : i32 to vector<2048x1xi32>
    %select_n3A_107 = arith.select %slice3A_103, %slice3A_104, %broadcast_in_dim3A_106 : vector<2048x1xi1>, vector<2048x1xi32>
    %eq3A_108 = vector.broadcast %select_n3A_107 : vector<2048x1xi32> to vector<2048x320xi32>
    %eq3A_109 = arith.cmpi eq, %eq3A_108, %iota3A_58 : vector<2048x320xi32>
    %convert_element_type3A_110 = arith.extui %eq3A_109 : vector<2048x320xi1> to vector<2048x320xi32>
    %convert_element_type3A_111 = arith.sitofp %convert_element_type3A_110 : vector<2048x320xi32> to vector<2048x320xf32>
    %dot_general3A_112 = arith.constant dense<0.000000e+00> : vector<1x320xf32>
    %dot_general3A_113 = tpu.matmul %convert_element_type3A_57, %convert_element_type3A_111, %dot_general3A_112 {dimension_numbers = #tpu.dot_dimension_numbers<[1], [0], [0], [1], [0, 0, 1, 1], [], []>, precision = #tpu.contract_precision<fp32>, transpose_lhs_hint = false} : vector<1x2048xf32>, vector<2048x320xf32>, vector<1x320xf32> -> vector<1x320xf32>
    %convert_element_type3A_114 = arith.fptosi %dot_general3A_113 : vector<1x320xf32> to vector<1x320xi32>
    %swap3A_115 = arith.constant 3 : index
    %swap3A_116 = arith.constant 0 : index
    %swap3A_117 = vector.load %arg2[%swap3A_115, %swap3A_116] : memref<8x320xi32, #tpu.memory_space<vmem>>, vector<1x320xi32>
    tpu.vector_store %arg2[%swap3A_115, %swap3A_116], %convert_element_type3A_114 {strides = array<i32>} : memref<8x320xi32, #tpu.memory_space<vmem>>, vector<1x320xi32>,
    %slice3A_118 = vector.extract_strided_slice %and3A {offsets = [0, 4], sizes = [2048, 1], strides = [1, 1]} : vector<2048x8xi1> to vector<2048x1xi1>
    %slice3A_119 = vector.extract_strided_slice %sub3A_30 {offsets = [0, 4], sizes = [2048, 1], strides = [1, 1]} : vector<2048x8xi32> to vector<2048x1xi32>
    %jit3A_120 = arith.constant -1 : i32
    %broadcast_in_dim3A_121 = vector.broadcast %jit3A_120 : i32 to vector<2048x1xi32>
    %select_n3A_122 = arith.select %slice3A_118, %slice3A_119, %broadcast_in_dim3A_121 : vector<2048x1xi1>, vector<2048x1xi32>
    %eq3A_123 = vector.broadcast %select_n3A_122 : vector<2048x1xi32> to vector<2048x320xi32>
    %eq3A_124 = arith.cmpi eq, %eq3A_123, %iota3A_58 : vector<2048x320xi32>
    %convert_element_type3A_125 = arith.extui %eq3A_124 : vector<2048x320xi1> to vector<2048x320xi32>
    %convert_element_type3A_126 = arith.sitofp %convert_element_type3A_125 : vector<2048x320xi32> to vector<2048x320xf32>
    %dot_general3A_127 = arith.constant dense<0.000000e+00> : vector<1x320xf32>
    %dot_general3A_128 = tpu.matmul %convert_element_type3A_57, %convert_element_type3A_126, %dot_general3A_127 {dimension_numbers = #tpu.dot_dimension_numbers<[1], [0], [0], [1], [0, 0, 1, 1], [], []>, precision = #tpu.contract_precision<fp32>, transpose_lhs_hint = false} : vector<1x2048xf32>, vector<2048x320xf32>, vector<1x320xf32> -> vector<1x320xf32>
    %convert_element_type3A_129 = arith.fptosi %dot_general3A_128 : vector<1x320xf32> to vector<1x320xi32>
    %swap3A_130 = arith.constant 4 : index
    %swap3A_131 = arith.constant 0 : index
    %swap3A_132 = vector.load %arg2[%swap3A_130, %swap3A_131] : memref<8x320xi32, #tpu.memory_space<vmem>>, vector<1x320xi32>
    tpu.vector_store %arg2[%swap3A_130, %swap3A_131], %convert_element_type3A_129 {strides = array<i32>} : memref<8x320xi32, #tpu.memory_space<vmem>>, vector<1x320xi32>,
    %slice3A_133 = vector.extract_strided_slice %and3A {offsets = [0, 5], sizes = [2048, 1], strides = [1, 1]} : vector<2048x8xi1> to vector<2048x1xi1>
    %slice3A_134 = vector.extract_strided_slice %sub3A_30 {offsets = [0, 5], sizes = [2048, 1], strides = [1, 1]} : vector<2048x8xi32> to vector<2048x1xi32>
    %jit3A_135 = arith.constant -1 : i32
    %broadcast_in_dim3A_136 = vector.broadcast %jit3A_135 : i32 to vector<2048x1xi32>
    %select_n3A_137 = arith.select %slice3A_133, %slice3A_134, %broadcast_in_dim3A_136 : vector<2048x1xi1>, vector<2048x1xi32>
    %eq3A_138 = vector.broadcast %select_n3A_137 : vector<2048x1xi32> to vector<2048x320xi32>
    %eq3A_139 = arith.cmpi eq, %eq3A_138, %iota3A_58 : vector<2048x320xi32>
    %convert_element_type3A_140 = arith.extui %eq3A_139 : vector<2048x320xi1> to vector<2048x320xi32>
    %convert_element_type3A_141 = arith.sitofp %convert_element_type3A_140 : vector<2048x320xi32> to vector<2048x320xf32>
    %dot_general3A_142 = arith.constant dense<0.000000e+00> : vector<1x320xf32>
    %dot_general3A_143 = tpu.matmul %convert_element_type3A_57, %convert_element_type3A_141, %dot_general3A_142 {dimension_numbers = #tpu.dot_dimension_numbers<[1], [0], [0], [1], [0, 0, 1, 1], [], []>, precision = #tpu.contract_precision<fp32>, transpose_lhs_hint = false} : vector<1x2048xf32>, vector<2048x320xf32>, vector<1x320xf32> -> vector<1x320xf32>
    %convert_element_type3A_144 = arith.fptosi %dot_general3A_143 : vector<1x320xf32> to vector<1x320xi32>
    %swap3A_145 = arith.constant 5 : index
    %swap3A_146 = arith.constant 0 : index
    %swap3A_147 = vector.load %arg2[%swap3A_145, %swap3A_146] : memref<8x320xi32, #tpu.memory_space<vmem>>, vector<1x320xi32>
    tpu.vector_store %arg2[%swap3A_145, %swap3A_146], %convert_element_type3A_144 {strides = array<i32>} : memref<8x320xi32, #tpu.memory_space<vmem>>, vector<1x320xi32>,
    %slice3A_148 = vector.extract_strided_slice %and3A {offsets = [0, 6], sizes = [2048, 1], strides = [1, 1]} : vector<2048x8xi1> to vector<2048x1xi1>
    %slice3A_149 = vector.extract_strided_slice %sub3A_30 {offsets = [0, 6], sizes = [2048, 1], strides = [1, 1]} : vector<2048x8xi32> to vector<2048x1xi32>
    %jit3A_150 = arith.constant -1 : i32
    %broadcast_in_dim3A_151 = vector.broadcast %jit3A_150 : i32 to vector<2048x1xi32>
    %select_n3A_152 = arith.select %slice3A_148, %slice3A_149, %broadcast_in_dim3A_151 : vector<2048x1xi1>, vector<2048x1xi32>
    %eq3A_153 = vector.broadcast %select_n3A_152 : vector<2048x1xi32> to vector<2048x320xi32>
    %eq3A_154 = arith.cmpi eq, %eq3A_153, %iota3A_58 : vector<2048x320xi32>
    %convert_element_type3A_155 = arith.extui %eq3A_154 : vector<2048x320xi1> to vector<2048x320xi32>
    %convert_element_type3A_156 = arith.sitofp %convert_element_type3A_155 : vector<2048x320xi32> to vector<2048x320xf32>
    %dot_general3A_157 = arith.constant dense<0.000000e+00> : vector<1x320xf32>
    %dot_general3A_158 = tpu.matmul %convert_element_type3A_57, %convert_element_type3A_156, %dot_general3A_157 {dimension_numbers = #tpu.dot_dimension_numbers<[1], [0], [0], [1], [0, 0, 1, 1], [], []>, precision = #tpu.contract_precision<fp32>, transpose_lhs_hint = false} : vector<1x2048xf32>, vector<2048x320xf32>, vector<1x320xf32> -> vector<1x320xf32>
    %convert_element_type3A_159 = arith.fptosi %dot_general3A_158 : vector<1x320xf32> to vector<1x320xi32>
    %swap3A_160 = arith.constant 6 : index
    %swap3A_161 = arith.constant 0 : index
    %swap3A_162 = vector.load %arg2[%swap3A_160, %swap3A_161] : memref<8x320xi32, #tpu.memory_space<vmem>>, vector<1x320xi32>
    tpu.vector_store %arg2[%swap3A_160, %swap3A_161], %convert_element_type3A_159 {strides = array<i32>} : memref<8x320xi32, #tpu.memory_space<vmem>>, vector<1x320xi32>,
    %slice3A_163 = vector.extract_strided_slice %and3A {offsets = [0, 7], sizes = [2048, 1], strides = [1, 1]} : vector<2048x8xi1> to vector<2048x1xi1>
    %slice3A_164 = vector.extract_strided_slice %sub3A_30 {offsets = [0, 7], sizes = [2048, 1], strides = [1, 1]} : vector<2048x8xi32> to vector<2048x1xi32>
    %jit3A_165 = arith.constant -1 : i32
    %broadcast_in_dim3A_166 = vector.broadcast %jit3A_165 : i32 to vector<2048x1xi32>
    %select_n3A_167 = arith.select %slice3A_163, %slice3A_164, %broadcast_in_dim3A_166 : vector<2048x1xi1>, vector<2048x1xi32>
    %eq3A_168 = vector.broadcast %select_n3A_167 : vector<2048x1xi32> to vector<2048x320xi32>
    %eq3A_169 = arith.cmpi eq, %eq3A_168, %iota3A_58 : vector<2048x320xi32>
    %convert_element_type3A_170 = arith.extui %eq3A_169 : vector<2048x320xi1> to vector<2048x320xi32>
    %convert_element_type3A_171 = arith.sitofp %convert_element_type3A_170 : vector<2048x320xi32> to vector<2048x320xf32>
    %dot_general3A_172 = arith.constant dense<0.000000e+00> : vector<1x320xf32>
    %dot_general3A_173 = tpu.matmul %convert_element_type3A_57, %convert_element_type3A_171, %dot_general3A_172 {dimension_numbers = #tpu.dot_dimension_numbers<[1], [0], [0], [1], [0, 0, 1, 1], [], []>, precision = #tpu.contract_precision<fp32>, transpose_lhs_hint = false} : vector<1x2048xf32>, vector<2048x320xf32>, vector<1x320xf32> -> vector<1x320xf32>
    %convert_element_type3A_174 = arith.fptosi %dot_general3A_173 : vector<1x320xf32> to vector<1x320xi32>
    %swap3A_175 = arith.constant 7 : index
    %swap3A_176 = arith.constant 0 : index
    %swap3A_177 = vector.load %arg2[%swap3A_175, %swap3A_176] : memref<8x320xi32, #tpu.memory_space<vmem>>, vector<1x320xi32>
    tpu.vector_store %arg2[%swap3A_175, %swap3A_176], %convert_element_type3A_174 {strides = array<i32>} : memref<8x320xi32, #tpu.memory_space<vmem>>, vector<1x320xi32>,
    %reduce_sum3A_178 = arith.constant dense<0.000000e+00> : vector<8xf32>
    %reduce_sum3A_179 = vector.multi_reduction <add>, %convert_element_type3A_20, %reduce_sum3A_178 [0] : vector<2048x8xf32> to vector<8xf32>
    %broadcast_in_dim3A_180 = vector.shape_cast %reduce_sum3A_179 : vector<8xf32> to vector<1x8xf32>
    %div3A_181 = arith.constant 2.048000e+03 : f32
    %div3A_182 = vector.broadcast %div3A_181 : f32 to vector<1x8xf32>
    %div3A_183 = arith.divf %broadcast_in_dim3A_180, %div3A_182 : vector<1x8xf32>
    %reduce_sum3A_184 = arith.constant dense<0.000000e+00> : vector<8xf32>
    %reduce_sum3A_185 = vector.multi_reduction <add>, %div3A_10, %reduce_sum3A_184 [0] : vector<2048x8xf32> to vector<8xf32>
    %broadcast_in_dim3A_186 = vector.shape_cast %reduce_sum3A_185 : vector<8xf32> to vector<1x8xf32>
    %div3A_187 = arith.constant 2.048000e+03 : f32
    %div3A_188 = vector.broadcast %div3A_187 : f32 to vector<1x8xf32>
    %div3A_189 = arith.divf %broadcast_in_dim3A_186, %div3A_188 : vector<1x8xf32>
    %mul3A_190 = arith.mulf %div3A_183, %div3A_189 : vector<1x8xf32>
    %reduce_sum3A_191 = arith.constant dense<0.000000e+00> : vector<1xf32>
    %reduce_sum3A_192 = vector.multi_reduction <add>, %mul3A_190, %reduce_sum3A_191 [1] : vector<1x8xf32> to vector<1xf32>
    %broadcast_in_dim3A_193 = vector.shape_cast %reduce_sum3A_192 : vector<1xf32> to vector<1x1xf32>
    %mul3A_194 = arith.constant 8.000000e+00 : f32
    %mul3A_195 = vector.broadcast %mul3A_194 : f32 to vector<1x1xf32>
    %mul3A_196 = arith.mulf %mul3A_195, %broadcast_in_dim3A_193 : vector<1x1xf32>
    %swap3A_197 = arith.constant 0 : index
    %swap3A_198 = arith.constant 0 : index
    %swap3A_199 = vector.load %arg5[%swap3A_197, %swap3A_198] : memref<1x1xf32, #tpu.memory_space<vmem>>, vector<1x1xf32>
    tpu.vector_store %arg5[%swap3A_197, %swap3A_198], %mul3A_196 {strides = array<i32>} : memref<1x1xf32, #tpu.memory_space<vmem>>, vector<1x1xf32>,
    return
  }
}

module attributes {stable_mosaic.version = 14 : i64} {
  func.func @_ln_kernel(%arg0: memref<2048x1024xf32, #tpu.memory_space<vmem>>, %arg1: memref<2048x1024xf32, #tpu.memory_space<vmem>>, %arg2: memref<2048x1xf32, #tpu.memory_space<vmem>>, %arg3: memref<1x1024xf32, #tpu.memory_space<vmem>>, %arg4: memref<1x1024xf32, #tpu.memory_space<vmem>>, %arg5: memref<2048x1024xf32, #tpu.memory_space<vmem>>) attributes {dimension_semantics = [], scalar_prefetch = 0 : i64, scratch_operands = 0 : i64, tpu.core_type = #tpu.core_type<tc>} {
    %get3A = arith.constant 0 : index
    %get3A_0 = arith.constant 0 : index
    %get3A_1 = vector.load %arg1[%get3A, %get3A_0] : memref<2048x1024xf32, #tpu.memory_space<vmem>>, vector<2048x1024xf32>
    %get3A_2 = arith.constant 0 : index
    %get3A_3 = arith.constant 0 : index
    %get3A_4 = vector.load %arg2[%get3A_2, %get3A_3] : memref<2048x1xf32, #tpu.memory_space<vmem>>, vector<2048x1xf32>
    %mul3A = vector.broadcast %get3A_4 : vector<2048x1xf32> to vector<2048x1024xf32>
    %mul3A_5 = arith.mulf %get3A_1, %mul3A : vector<2048x1024xf32>
    %get3A_6 = arith.constant 0 : index
    %get3A_7 = arith.constant 0 : index
    %get3A_8 = vector.load %arg0[%get3A_6, %get3A_7] : memref<2048x1024xf32, #tpu.memory_space<vmem>>, vector<2048x1024xf32>
    %add3A = arith.addf %mul3A_5, %get3A_8 : vector<2048x1024xf32>
    %reduce_sum3A = arith.constant dense<0.000000e+00> : vector<2048xf32>
    %reduce_sum3A_9 = vector.multi_reduction <add>, %add3A, %reduce_sum3A [1] : vector<2048x1024xf32> to vector<2048xf32>
    %broadcast_in_dim3A = vector.shape_cast %reduce_sum3A_9 : vector<2048xf32> to vector<2048x1xf32>
    %div3A = arith.constant 1.024000e+03 : f32
    %div3A_10 = vector.broadcast %div3A : f32 to vector<2048x1xf32>
    %div3A_11 = arith.divf %broadcast_in_dim3A, %div3A_10 : vector<2048x1xf32>
    %sub3A = vector.broadcast %div3A_11 : vector<2048x1xf32> to vector<2048x1024xf32>
    %sub3A_12 = arith.subf %add3A, %sub3A : vector<2048x1024xf32>
    %mul3A_13 = arith.mulf %sub3A_12, %sub3A_12 : vector<2048x1024xf32>
    %reduce_sum3A_14 = arith.constant dense<0.000000e+00> : vector<2048xf32>
    %reduce_sum3A_15 = vector.multi_reduction <add>, %mul3A_13, %reduce_sum3A_14 [1] : vector<2048x1024xf32> to vector<2048xf32>
    %broadcast_in_dim3A_16 = vector.shape_cast %reduce_sum3A_15 : vector<2048xf32> to vector<2048x1xf32>
    %div3A_17 = arith.constant 1.024000e+03 : f32
    %div3A_18 = vector.broadcast %div3A_17 : f32 to vector<2048x1xf32>
    %div3A_19 = arith.divf %broadcast_in_dim3A_16, %div3A_18 : vector<2048x1xf32>
    %add3A_20 = arith.constant 9.99999974E-6 : f32
    %add3A_21 = vector.broadcast %add3A_20 : f32 to vector<2048x1xf32>
    %add3A_22 = arith.addf %div3A_19, %add3A_21 : vector<2048x1xf32>
    %rsqrt3A = math.rsqrt %add3A_22 : vector<2048x1xf32>
    %mul3A_23 = vector.broadcast %rsqrt3A : vector<2048x1xf32> to vector<2048x1024xf32>
    %mul3A_24 = arith.mulf %sub3A_12, %mul3A_23 : vector<2048x1024xf32>
    %get3A_25 = arith.constant 0 : index
    %get3A_26 = arith.constant 0 : index
    %get3A_27 = vector.load %arg3[%get3A_25, %get3A_26] : memref<1x1024xf32, #tpu.memory_space<vmem>>, vector<1x1024xf32>
    %get3A_28 = vector.shape_cast %get3A_27 : vector<1x1024xf32> to vector<1024xf32>
    %broadcast_in_dim3A_29 = vector.shape_cast %get3A_28 : vector<1024xf32> to vector<1x1024xf32>
    %mul3A_30 = vector.broadcast %broadcast_in_dim3A_29 : vector<1x1024xf32> to vector<2048x1024xf32>
    %mul3A_31 = arith.mulf %mul3A_24, %mul3A_30 : vector<2048x1024xf32>
    %get3A_32 = arith.constant 0 : index
    %get3A_33 = arith.constant 0 : index
    %get3A_34 = vector.load %arg4[%get3A_32, %get3A_33] : memref<1x1024xf32, #tpu.memory_space<vmem>>, vector<1x1024xf32>
    %get3A_35 = vector.shape_cast %get3A_34 : vector<1x1024xf32> to vector<1024xf32>
    %broadcast_in_dim3A_36 = vector.shape_cast %get3A_35 : vector<1024xf32> to vector<1x1024xf32>
    %add3A_37 = vector.broadcast %broadcast_in_dim3A_36 : vector<1x1024xf32> to vector<2048x1024xf32>
    %add3A_38 = arith.addf %mul3A_31, %add3A_37 : vector<2048x1024xf32>
    %swap3A = arith.constant 0 : index
    %swap3A_39 = arith.constant 0 : index
    %swap3A_40 = vector.load %arg5[%swap3A, %swap3A_39] : memref<2048x1024xf32, #tpu.memory_space<vmem>>, vector<2048x1024xf32>
    tpu.vector_store %arg5[%swap3A, %swap3A_39], %add3A_38 {strides = array<i32>} : memref<2048x1024xf32, #tpu.memory_space<vmem>>, vector<2048x1024xf32>,
    return
  }
}

</mosaic_0001>

<sc_bundles>
// kernel: kernel.10.cloned.1.call-start
scs
__scs_entry_jumppad:
0x0: {  	(pc) =	sbr.rel $0x88, $3  }
0x1: {  	(tag) =	ssettag $0x0;
	lr =	simm.s32 $0x1  }
0x2: {  	[smem:$0x3F9A] =	sst lr;
	_ =	strace $0xD0000000  }
0x3: {  	_ = 	snop  }
0x4: {  	_ = 	snop  }
0x5: {  	_ = 	snop  }
0x6: {  	_ = 	snop  }
0x7: {  	_ = 	snop  }
__scs_overlays_trampoline_lowered:
0x8: {  	[smem:$0x3FA9] =	sst s0  }
0x9: {  	[smem:$0x3FAA] =	sst s1  }
0xa: {  	[smem:$0x3FAB] =	sst s2  }
0xb: {  	[smem:$0x3FAC] =	sst s3  }
0xc: {  	[smem:$0x3FAD] =	sst s4  }
0xd: {  	[smem:$0x3FAE] =	sst s5  }
0xe: {  	[smem:$0x3FAF] =	sst s6  }
0xf: {  	[smem:$0x3FB0] =	sst s7  }
0x10: {  	[smem:$0x3FB1] =	sst s8  }
0x11: {  	[smem:$0x3FB2] =	sst s9;
	s0 =	simm.s32 @!p0 $0x0  }
0x12: {  	s1 =	sld [smem:$0x3F98];
	s0 =	simm.s32 @p0 $0x1  }
0x13: {  	[smem:$0x3FB3] =	sst s0;
	s0 =	simm.s32 @!p1 $0x0  }
0x14: {  	s2 =	sld [smem:$0x3F97];
	s0 =	simm.s32 @p1 $0x1  }
0x15: {  	[smem:$0x3FB4] =	sst s0;
	s0 =	simm.s32 @!p2 $0x0  }
0x16: {  	s3 =	sld [smem:$0x3FDB];
	s0 =	simm.s32 @p2 $0x1  }
0x17: {  	s4 =	simm.s32 $0x1BF5;
	[smem:$0x3FB6] =	sst s0  }
0x18: {  	s0 =	sld [smem:$0x3F99];
	_ =	swait.ge [sflag:s4], $0x0  }
0x19: {  	s7 =	sld [smem:$0x3F9A]  }
0x1a: {  	s8 =	sadd.s32 $0xFFFFE003, lr  }
0x1b: {  	s9 =	sadd.s32 $0xFFFFFEF7, lr;
	s5 =	simm.s32 $0xFFFFFFFF;
	p2 =	slt.u32 s8, $0xFFFFF086  }
0x1c: {  	p1 =	slt.u32 s9, $0xF7A;
	s5 =	simm.s32 @!p2 $0x0  }
0x1d: {  	s5 =	simm.s32 @p1 $0x1;
	p0 =	seq.s32 s7, s2  }
0x1e: {  	s7 =	smul.u32 @!p0 $0xF7A, s2;
	p2 =	seq.s32 @!p0 s5, $0x0  }
0x1f: {  	s9 =	smul.u32 $0xF7A, s1;
	s8 =	simm.s32 @!p0 $0x1BF5;
	p2 =	por !p2, p0  }
0x20: {  	[sflag:s8] =	ssyncset.s32 @!p0 $0xFFFFF086;
	s6 =	sadd.s32 @!p0 s3, s7;
	s7 =	simm.s32 @!p0 $0x108  }
0x21: {  	s3 =	sadd.s32 s3, s9;
	s6 =	sadd.s32 @!p0 $0x88, s6;
	s7 =	simm.s32 @p2 $0x1082  }
0x22: {  	[simem:s7], [sflag:s8] =	dma.local @!p0 [hbm:s6], $0xF7A  }
0x23: {  	s9 =	sor.u32 $0xD0000000, s2;
	s6 =	simm.s32 $0x108;
	_ =	swait.ge @!p0 [sflag:s8], $0x0  }
0x24: {  	s3 =	sadd.s32 $0x88, s3;
	s6 =	simm.s32 @!p1 $0x1082;
	[sflag:s4] =	ssyncset.s32 $0xFFFFF086  }
0x25: {  	[simem:s6], [sflag:s4] =	dma.local [hbm:s3], $0xF7A  }
0x26: {  	[smem:$0x3F9A] =	sst s1;
	(tag) =	ssettag s2;
	_ =	strace s9  }
0x27: {  	s1 =	sld [smem:$0x3FAA]  }
0x28: {  	s2 =	sld [smem:$0x3FAB]  }
0x29: {  	s4 =	sld [smem:$0x3FAD]  }
0x2a: {  	p0 =	seq.s32 s5, $0x0;
	s5 =	sld [smem:$0x3FAE]  }
0x2b: {  	s6 =	sld [smem:$0x3FAF]  }
0x2c: {  	s7 =	sld [smem:$0x3FB0]  }
0x2d: {  	s3 =	simm.s32 $0x108;
	s8 =	sld [smem:$0x3FB1]  }
0x2e: {  	s3 =	simm.s32 @!p0 $0x1082;
	s9 =	sld [smem:$0x3FB2]  }
0x2f: {  	lr =	sadd.s32 s0, s3;
	s0 =	sld [smem:$0x3FA9]  }
0x30: {  	s3 =	sld [smem:$0x3FAC]  }
0x31: {  	[smem:$0x3FB5] =	sst s10  }
0x32: {  	s10 =	sld [smem:$0x3FB3];
	_ =	sdelay $0x3  }
0x33: {  	p0 =	seq.s32 s10, $0x1;
	s10 =	sld [smem:$0x3FB5];
	_ =	sdelay $0x3  }
0x34: {  	[smem:$0x3FB5] =	sst s10  }
0x35: {  	s10 =	sld [smem:$0x3FB4];
	_ =	sdelay $0x3  }
0x36: {  	p1 =	seq.s32 s10, $0x1;
	s10 =	sld [smem:$0x3FB5];
	_ =	sdelay $0x3  }
0x37: {  	[smem:$0x3FB5] =	sst s10  }
0x38: {  	s10 =	sld [smem:$0x3FB6]  }
0x39: {  	_ = 	snop;
	(pc) =	sbr.ind lr, $3  }
0x3a: {  	_ = 	snop  }
0x3b: {  	_ = 	snop  }
0x3c: {  	p2 =	seq.s32 s10, $0x1;
	s10 =	sld [smem:$0x3FB5]  }
0x3d: {  	_ =	shalt  }
0x3e: {  	_ =	shalt  }
0x3f: {  	_ =	shalt  }
0x40: {  	_ =	shalt  }
0x41: {  	_ =	shalt  }
0x42: {  	_ =	shalt  }
0x43: {  	_ =	shalt  }
0x44: {  	_ =	shalt  }
0x45: {  	_ =	shalt  }
0x46: {  	_ =	shalt  }
0x47: {  	_ =	shalt  }
0x48: {  	_ =	shalt  }
0x49: {  	_ =	shalt  }
0x4a: {  	_ =	shalt  }
0x4b: {  	_ =	shalt  }
0x4c: {  	_ =	shalt  }
0x4d: {  	_ =	shalt  }
0x4e: {  	_ =	shalt  }
0x4f: {  	_ =	shalt  }
0x50: {  	_ =	shalt  }
0x51: {  	_ =	shalt  }
0x52: {  	_ =	shalt  }
0x53: {  	_ =	shalt  }
0x54: {  	_ =	shalt  }
0x55: {  	_ =	shalt  }
0x56: {  	_ =	shalt  }
0x57: {  	_ =	shalt  }
0x58: {  	_ =	shalt  }
0x59: {  	_ =	shalt  }
0x5a: {  	_ =	shalt  }
0x5b: {  	_ =	shalt  }
0x5c: {  	_ =	shalt  }
0x5d: {  	_ =	shalt  }
0x5e: {  	_ =	shalt  }
0x5f: {  	_ =	shalt  }
0x60: {  	_ =	shalt  }
0x61: {  	_ =	shalt  }
0x62: {  	_ =	shalt  }
0x63: {  	_ =	shalt  }
0x64: {  	_ =	shalt  }
0x65: {  	_ =	shalt  }
0x66: {  	_ =	shalt  }
0x67: {  	_ =	shalt  }
0x68: {  	_ =	shalt  }
0x69: {  	_ =	shalt  }
0x6a: {  	_ =	shalt  }
0x6b: {  	_ =	shalt  }
0x6c: {  	_ =	shalt  }
0x6d: {  	_ =	shalt  }
0x6e: {  	_ =	shalt  }
0x6f: {  	_ =	shalt  }
0x70: {  	_ =	shalt  }
0x71: {  	_ =	shalt  }
0x72: {  	_ =	shalt  }
0x73: {  	_ =	shalt  }
0x74: {  	_ =	shalt  }
0x75: {  	_ =	shalt  }
0x76: {  	_ =	shalt  }
0x77: {  	_ =	shalt  }
0x78: {  	_ =	shalt  }
0x79: {  	_ =	shalt  }
0x7a: {  	_ =	shalt  }
0x7b: {  	_ =	shalt  }
0x7c: {  	_ =	shalt  }
0x7d: {  	_ =	shalt  }
0x7e: {  	_ =	shalt  }
0x7f: {  	_ =	shalt  }
0x80: {  	_ =	shalt  }
0x81: {  	_ =	shalt  }
0x82: {  	_ =	shalt  }
0x83: {  	_ =	shalt  }
0x84: {  	_ =	shalt  }
0x85: {  	_ =	shalt  }
0x86: {  	_ =	shalt  }
0x87: {  	_ =	shalt  }
.Lfunc_end0:
.L_simem_size_0:
called_computation.1_lowered:
.L_overlay_start_0:
0x88: {  	s2 =	sld [smem:$0x3FD9]  }
0x89: {  	s3 =	sld [smem:$0x3FFE];
	_ =	sdelay $0x1  }
0x8a: {  	s1 =	srdreg.scid  }
0x8b: {  	s0 =	sand.u32 $0x1, s1  }
0x8c: {  	s14 =	sshll.u32 s0, $0xA;
	s2 =	sadd.s32 s3, s2  }
0x8d: {  	s2 =	sadd.s32 s2, s14  }
0x8e: {  	[smem:$0x3FC1] =	sst s2  }
0x8f: {  	_ = 	snop  }
0x90: {  	s2 =	sld [smem:$0x3FD0];
	_ =	sdelay $0x2  }
0x91: {  	s15 =	simm.s32 $0xA;
	s4 =	simm.s32 $0x10  }
0x92: {  	[smem:s4], [sflag:s15] =	dma.local [hbm:s2], $0x1  }
0x93: {  	_ =	swait.eq [sflag:s15], $0x1  }
0x94: {  	[sflag:s15] =	ssyncset.done $0x0  }
0x95: {  	[sflag:s15] =	ssyncadd.s32 $0xFFFFFFFF  }
0x96: {  	s16 =	sld [smem:$0x10];
	(tm) =	ssettm $0x1  }
0x97: {  	s17 =	sld [smem:$0x3FFB];
	_ =	sdelay $0x3  }
0x98: {  	_ =	strace s17  }
0x99: {  	s3 =	sld [smem:$0x3FFC];
	_ =	sdelay $0x3  }
0x9a: {  	_ =	strace s3  }
0x9b: {  	s3 =	sld [smem:$0x3FFD];
	_ =	sdelay $0x3  }
0x9c: {  	_ =	strace s3  }
0x9d: {  	_ =	strace $0x8FFFFFFF  }
0x9e: {  	s18 =	sld [smem:$0x3FDB];
	_ =	sdelay $0x1  }
0x9f: {  	s19 =	simm.s32 $_scs_section_size  }
0xa0: {  	s5 =	simm.s32 $_size__tile_overlayer_lowered;
	s6 =	simm.s32 $_tile_overlayer_lowered  }
0xa1: {  	s22 =	simm.s32 $0x1BFF;
	s21 =	sshll.u32 s6, $0x1;
	s3 =	sadd.s32 s19, s18  }
0xa2: {  	s7 =	simm.s32 $0x0;
	s20 =	sshll.u32 s5, $0x1;
	s5 =	sadd.s32 s21, s3  }
0xa3: {  	[timem:s7], [sflag:s22] =	dma.local [hbm:s5], s20  }
0xa4: {  	_ =	swait.ge [sflag:s22], s20  }
0xa5: {  	s4 =	ssub.s32 $0x0, s20;
	[sflag:s22] =	ssyncset.done $0x0  }
0xa6: {  	[sflag:s22] =	ssyncadd.s32 s4;
	_ =	sdelay $0x1  }
0xa7: {  	s23 =	simm.s32 $0x1B8B  }
0xa8: {  	_ =	swait.ge [sflag:s23], $0x1  }
0xa9: {  	[sflag:s23] =	ssyncset.done $0x0  }
0xaa: {  	s25 =	simm.s32 $0x1B8E;
	s24 =	sld [smem:$0x3FFE];
	[sflag:s23] =	ssyncadd.s32 $0xFFFFFFFF  }
0xab: {  	s26 =	simm.s32 $execute0_lowered;
	[smem:$0x3FD2] =	sst s25  }
0xac: {  	s5 =	sshll.u32 s26, $0x1;
	_ =	strace $0x80000049;
	[dreg:$0x1] =	wrdreg $0xFFFFFFFF  }
0xad: {  	s28 =	simm.s32 $_size_execute0_lowered;
	s3 =	sadd.s32 s3, s5;
	[dreg:$0x0] =	wrdreg $0x0  }
0xae: {  	s5 =	sshll.u32 s28, $0x1;
	[dreg:$0x2] =	wrdreg s3  }
0xaf: {  	[dreg:$0x3] =	wrdreg s5  }
0xb0: {  	[dreg:$0x4] =	wrdreg $0xC0  }
0xb1: {  	_ =	task [dreg:s7], $0x5FFFF  }
0xb2: {  	[dreg:$0x1] =	wrdreg $0xFFFFFFFF  }
0xb3: {  	[dreg:$0x0] =	wrdreg $0x60  }
0xb4: {  	[dreg:$0x2] =	wrdreg s24  }
0xb5: {  	[dreg:$0x3] =	wrdreg s16  }
0xb6: {  	[dreg:$0x4] =	wrdreg $0x9  }
0xb7: {  	_ =	task.clear_ibuf [dreg:s7], $0x5FFFF;
	_ =	strace $0x90000049  }
0xb8: {  	s29 =	simm.s32 $0x9;
	_ =	strace $0x8000004B  }
0xb9: {  	_ =	swait.ge [sflag:s29], $0x1  }
0xba: {  	[sflag:s29] =	ssyncadd.s32 $0xFFFFFFFF  }
0xbb: {  	_ =	strace $0x9000004B  }
0xbc: {  	_ =	sfence  }
0xbd: {  	s30 =	sld [smem:$0x0];
	_ =	sdelay $0x2  }
0xbe: {  	s31 =	sshll.u32 s1, $0xD;
	s1 =	sshrl.u32 s1, $0x2  }
0xbf: {  	s3 =	sand.u32 $0x4000, s31;
	s1 =	sadd.s32 s1, s30  }
0xc0: {  	s0 =	sor.u32 s3, s0;
	s1 =	sshll.u32 s1, $0x11  }
0xc1: {  	s0 =	sor.u32 s1, s0  }
0xc2: {  	s0 =	sadd.s32 $0x8F2B, s0  }
0xc3: {  	[sflag:s0] =	ssyncadd.remote.s32 $0x1  }
0xc4: {  	_ =	sfence.sel $0xFFFF  }
0xc5: {  	[dreg:$0x0] =	wrdreg $0xFFFFFFFF;
	(pc) =	sbr.abs _section_cstart, $3  }
0xc6: {  	[dreg:$0x1] =	wrdreg $0xFFFFFFFF  }
0xc7: {  	_ =	task.clear_ibuf [dreg:s7], $0x2FFFF;
	_ =	strace $0x9FFFFFFF  }
0xc8: {  	(tm) =	ssettm $0x7FFFFFFF  }
0xc9: {  	_ =	shalt  }
tec
execute0_lowered:
.L_overlay_start_1:
0x0: {  	(tag) =	ssettag $0x1  }
0x1: {  	s1 =	srdreg.scid  }
0x2: {  	s0 =	stileid.u32;
	s6 =	rddreg [dreg:$0x0]  }
0x3: {  	s4 =	rddreg [dreg:$0x1];
	s18 =	simm.s32 $0x880;
	s19 =	simm.s32 $0x1080  }
0x4: {  	s20 =	simm.s32 $0x1880;
	s22 =	simm.s32 $0x2080;
	s23 =	simm.s32 $0x2880  }
0x5: {  	s7 =	simm.s32 $0x3080;
	s24 =	simm.s32 $0x3880;
	s8 =	simm.s32 $0x4080  }
0x6: {  	s25 =	simm.s32 $0x4880;
	s26 =	simm.s32 $0x5080;
	s1 =	sand.u32 $0x1, s1  }
0x7: {  	s9 =	simm.s32 $0x80;
	s2 =	sshll.u32 s0, $0x7;
	s3 =	sshll.u32 s1, $0x6  }
0x8: {  	s11 =	simm.s32 $0x6080;
	s3 =	sor.u32 s3, s2;
	s2 =	simm.s32 $0x0  }
0x9: {  	s12 =	simm.s32 $0x6880;
	s13 =	simm.s32 $0x7080;
	[smem:$0x7FF] =	sst s2  }
0xa: {  	s14 =	simm.s32 $0x7880;
	_ =	strace $0x8000004A;
	[dreg:$0x5] =	wrdreg s18  }
0xb: {  	s15 =	simm.s32 $0x8080;
	s16 =	simm.s32 $0x8880;
	[dreg:$0x6] =	wrdreg s19  }
0xc: {  	s17 =	simm.s32 $0x9080;
	s28 =	simm.s32 $0xE080;
	[dreg:$0x7] =	wrdreg s20  }
0xd: {  	s29 =	simm.s32 $0xE880;
	s30 =	simm.s32 $0xF080;
	[dreg:$0x8] =	wrdreg s22  }
0xe: {  	s31 =	simm.s32 $0xF880;
	s1 =	ssub.s32 $0x2, s1;
	[dreg:$0x9] =	wrdreg s23  }
0xf: {  	s21 =	sshrl.u32 s1, $0x1;
	s5 =	sshrl.u32 s3, $0x3;
	[dreg:$0xa] =	wrdreg s7  }
0x10: {  	s3 =	sshll.u32 s3, $0x7;
	s1 =	ssub.s32 s1, s21;
	[dreg:$0xb] =	wrdreg s24  }
0x11: {  	s21 =	simm.s32 $0xB080;
	s5 =	sadd.s32 s5, s6;
	[dreg:$0xc] =	wrdreg s8  }
0x12: {  	s3 =	sadd.s32 s4, s3;
	s4 =	sadd.s32 $0x9B00, s6;
	[dreg:$0xd] =	wrdreg s25  }
0x13: {  	s7 =	smax.u32 s1, $0x1;
	s8 =	simm.s32 $0x2;
	[dreg:$0xe] =	wrdreg s26  }
0x14: {  	s18 =	simm.s32 $0x9880;
	s19 =	simm.s32 $0xA080;
	s20 =	simm.s32 $0xA880  }
0x15: {  	s22 =	simm.s32 $0xB880;
	s23 =	simm.s32 $0xC080;
	s24 =	simm.s32 $0xC880  }
0x16: {  	v2 =	vlaneseq.u32;
	s25 =	simm.s32 $0xD080;
	s26 =	simm.s32 $0xD880;
	s1 =	simm.s32 $0x1  }
0x17: {  	vm0 =	vmmov $0xffff;
	v1 =	vshrl.u32 v2, $0x3;
	s5 =	sadd.s32 $0x59A00, s5;
	[dreg:$0x4] =	wrdreg s3;
	s3 =	sadd.s32 $0x9A00, s6  }
0x18: {  	v0 =	vand.u32 $0x7, v2;
	v2 =	vor.u32 $0x8, v2;
	v1 =	vmul.u32 $0x8, v1;
	[dreg:$0x3] =	wrdreg s5;
	s5 =	sadd.s32 $0x9C00, s6;
	s6 =	sadd.s32 $0x9D00, s6  }
.LBB2_1:
0x19: {  	s0 =	rddreg [dreg:$0x3]  }
0x1a: {  	[tilespmem:s2], [sflag:$0x2] =	stream.linear.gather [hbm4b:s0+s2], $0x40, $0x38;
	[tilespmem:$0x10080] =	vst v63  }
0x1b: {  	_ =	swait.ge [sflag:s8], $0x40  }
0x1c: {  	[sflag:s8] =	ssyncset.done $0x0  }
0x1d: {  	[sflag:s8] =	ssyncadd.s32 $0xFFFFFFC0  }
0x1e: {  	v3 =	vld [tilespmem:$0x0];
	_ =	sdelay $0x4  }
0x1f: {  	v4 =	vshll.u32 v3, $0x3  }
0x20: {  	v3 =	vand.u32 $0x7, v3;
	v4 =	vand.u32 $0xFFFFFFC0, v4  }
0x21: {  	v3 =	vor.u32 v3, v4  }
0x22: {  	v4 =	vperm.xlane v3, v0;
	_ =	sdelay $0x1  }
0x23: {  	v4 =	vadd.s32 v1, v4;
	_ =	sdelay $0x4  }
0x24: {  	[tilespmem:s9], [sflag:$0x1] =	stream.indirect_vreg.gather [hbm4b:s3+s2], $0x80, v4, vm0, $0xb8;
	[tilespmem:$0x10080] =	vst v63  }
0x25: {  	s0 =	rddreg [dreg:$0x5];
	v3 =	vperm.xlane v3, v2  }
0x26: {  	[tilespmem:s0], [sflag:$0x1] =	stream.indirect_vreg.gather [hbm4b:s4+s2], $0x80, v4, vm0, $0xb8;
	[tilespmem:$0x10080] =	vst v63  }
0x27: {  	s10 =	rddreg [dreg:$0x6];
	v3 =	vadd.s32 v1, v3  }
0x28: {  	[tilespmem:s10], [sflag:$0x1] =	stream.indirect_vreg.gather [hbm4b:s5+s2], $0x80, v4, vm0, $0xb8;
	[tilespmem:$0x10080] =	vst v63  }
0x29: {  	s0 =	rddreg [dreg:$0x7]  }
0x2a: {  	[tilespmem:s0], [sflag:$0x1] =	stream.indirect_vreg.gather [hbm4b:s6+s2], $0x80, v4, vm0, $0xb8;
	[tilespmem:$0x10080] =	vst v63  }
0x2b: {  	s10 =	rddreg [dreg:$0x8]  }
0x2c: {  	[tilespmem:s10], [sflag:$0x1] =	stream.indirect_vreg.gather [hbm4b:s3+s2], $0x80, v3, vm0, $0xb8;
	[tilespmem:$0x10080] =	vst v63  }
0x2d: {  	s0 =	rddreg [dreg:$0x9]  }
0x2e: {  	[tilespmem:s0], [sflag:$0x1] =	stream.indirect_vreg.gather [hbm4b:s4+s2], $0x80, v3, vm0, $0xb8;
	[tilespmem:$0x10080] =	vst v63  }
0x2f: {  	s10 =	rddreg [dreg:$0xa]  }
0x30: {  	[tilespmem:s10], [sflag:$0x1] =	stream.indirect_vreg.gather [hbm4b:s5+s2], $0x80, v3, vm0, $0xb8;
	[tilespmem:$0x10080] =	vst v63  }
0x31: {  	s0 =	rddreg [dreg:$0xb]  }
0x32: {  	[tilespmem:s0], [sflag:$0x1] =	stream.indirect_vreg.gather [hbm4b:s6+s2], $0x80, v3, vm0, $0xb8;
	[tilespmem:$0x10080] =	vst v63  }
0x33: {  	v3 =	vld [tilespmem:$0x10];
	_ =	sdelay $0x4  }
0x34: {  	v61 =	vshll.u32 v3, $0x3  }
0x35: {  	v3 =	vand.u32 $0x7, v3;
	v4 =	vand.u32 $0xFFFFFFC0, v61  }
0x36: {  	v3 =	vor.u32 v3, v4  }
0x37: {  	v4 =	vperm.xlane v3, v0;
	_ =	sdelay $0x1  }
0x38: {  	v4 =	vadd.s32 v1, v4;
	_ =	sdelay $0x3  }
0x39: {  	s0 =	rddreg [dreg:$0xc]  }
0x3a: {  	[tilespmem:s0], [sflag:$0x1] =	stream.indirect_vreg.gather [hbm4b:s3+s2], $0x80, v4, vm0, $0xb8;
	[tilespmem:$0x10080] =	vst v63  }
0x3b: {  	s10 =	rddreg [dreg:$0xd];
	v3 =	vperm.xlane v3, v2  }
0x3c: {  	[tilespmem:s10], [sflag:$0x1] =	stream.indirect_vreg.gather [hbm4b:s4+s2], $0x80, v4, vm0, $0xb8;
	[tilespmem:$0x10080] =	vst v63  }
0x3d: {  	v3 =	vadd.s32 v1, v3;
	s0 =	rddreg [dreg:$0xe]  }
0x3e: {  	[tilespmem:s0], [sflag:$0x1] =	stream.indirect_vreg.gather [hbm4b:s5+s2], $0x80, v4, vm0, $0xb8;
	[tilespmem:$0x10080] =	vst v63  }
0x3f: {  	s10 =	simm.s32 $0x5880  }
0x40: {  	[tilespmem:s10], [sflag:$0x1] =	stream.indirect_vreg.gather [hbm4b:s6+s2], $0x80, v4, vm0, $0xb8;
	[tilespmem:$0x10080] =	vst v63  }
0x41: {  	_ = 	snop  }
0x42: {  	[tilespmem:s11], [sflag:$0x1] =	stream.indirect_vreg.gather [hbm4b:s3+s2], $0x80, v3, vm0, $0xb8;
	[tilespmem:$0x10080] =	vst v63  }
0x43: {  	_ = 	snop  }
0x44: {  	[tilespmem:s12], [sflag:$0x1] =	stream.indirect_vreg.gather [hbm4b:s4+s2], $0x80, v3, vm0, $0xb8;
	[tilespmem:$0x10080] =	vst v63  }
0x45: {  	_ = 	snop  }
0x46: {  	[tilespmem:s13], [sflag:$0x1] =	stream.indirect_vreg.gather [hbm4b:s5+s2], $0x80, v3, vm0, $0xb8;
	[tilespmem:$0x10080] =	vst v63  }
0x47: {  	_ = 	snop  }
0x48: {  	[tilespmem:s14], [sflag:$0x1] =	stream.indirect_vreg.gather [hbm4b:s6+s2], $0x80, v3, vm0, $0xb8;
	[tilespmem:$0x10080] =	vst v63  }
0x49: {  	v3 =	vld [tilespmem:$0x20];
	_ =	sdelay $0x4  }
0x4a: {  	v62 =	vshll.u32 v3, $0x3  }
0x4b: {  	v3 =	vand.u32 $0x7, v3;
	v4 =	vand.u32 $0xFFFFFFC0, v62  }
0x4c: {  	v3 =	vor.u32 v3, v4  }
0x4d: {  	v4 =	vperm.xlane v3, v0;
	_ =	sdelay $0x1  }
0x4e: {  	v4 =	vadd.s32 v1, v4;
	_ =	sdelay $0x4  }
0x4f: {  	[tilespmem:s15], [sflag:$0x1] =	stream.indirect_vreg.gather [hbm4b:s3+s2], $0x80, v4, vm0, $0xb8;
	[tilespmem:$0x10080] =	vst v63  }
0x50: {  	v3 =	vperm.xlane v3, v2  }
0x51: {  	[tilespmem:s16], [sflag:$0x1] =	stream.indirect_vreg.gather [hbm4b:s4+s2], $0x80, v4, vm0, $0xb8;
	[tilespmem:$0x10080] =	vst v63  }
0x52: {  	v3 =	vadd.s32 v1, v3  }
0x53: {  	[tilespmem:s17], [sflag:$0x1] =	stream.indirect_vreg.gather [hbm4b:s5+s2], $0x80, v4, vm0, $0xb8;
	[tilespmem:$0x10080] =	vst v63  }
0x54: {  	_ = 	snop  }
0x55: {  	[tilespmem:s18], [sflag:$0x1] =	stream.indirect_vreg.gather [hbm4b:s6+s2], $0x80, v4, vm0, $0xb8;
	[tilespmem:$0x10080] =	vst v63  }
0x56: {  	_ = 	snop  }
0x57: {  	[tilespmem:s19], [sflag:$0x1] =	stream.indirect_vreg.gather [hbm4b:s3+s2], $0x80, v3, vm0, $0xb8;
	[tilespmem:$0x10080] =	vst v63  }
0x58: {  	_ = 	snop  }
0x59: {  	[tilespmem:s20], [sflag:$0x1] =	stream.indirect_vreg.gather [hbm4b:s4+s2], $0x80, v3, vm0, $0xb8;
	[tilespmem:$0x10080] =	vst v63  }
0x5a: {  	_ = 	snop  }
0x5b: {  	[tilespmem:s21], [sflag:$0x1] =	stream.indirect_vreg.gather [hbm4b:s5+s2], $0x80, v3, vm0, $0xb8;
	[tilespmem:$0x10080] =	vst v63  }
0x5c: {  	_ = 	snop  }
0x5d: {  	[tilespmem:s22], [sflag:$0x1] =	stream.indirect_vreg.gather [hbm4b:s6+s2], $0x80, v3, vm0, $0xb8;
	[tilespmem:$0x10080] =	vst v63  }
0x5e: {  	v3 =	vld [tilespmem:$0x30];
	_ =	sdelay $0x4  }
0x5f: {  	v63 =	vshll.u32 v3, $0x3  }
0x60: {  	v3 =	vand.u32 $0x7, v3;
	v4 =	vand.u32 $0xFFFFFFC0, v63  }
0x61: {  	v3 =	vor.u32 v3, v4  }
0x62: {  	v4 =	vperm.xlane v3, v0;
	_ =	sdelay $0x1  }
0x63: {  	v4 =	vadd.s32 v1, v4;
	_ =	sdelay $0x4  }
0x64: {  	[tilespmem:s23], [sflag:$0x1] =	stream.indirect_vreg.gather [hbm4b:s3+s2], $0x80, v4, vm0, $0xb8;
	[tilespmem:$0x10080] =	vst v63  }
0x65: {  	v3 =	vperm.xlane v3, v2  }
0x66: {  	[tilespmem:s24], [sflag:$0x1] =	stream.indirect_vreg.gather [hbm4b:s4+s2], $0x80, v4, vm0, $0xb8;
	[tilespmem:$0x10080] =	vst v63  }
0x67: {  	v3 =	vadd.s32 v1, v3  }
0x68: {  	[tilespmem:s25], [sflag:$0x1] =	stream.indirect_vreg.gather [hbm4b:s5+s2], $0x80, v4, vm0, $0xb8;
	[tilespmem:$0x10080] =	vst v63  }
0x69: {  	_ = 	snop  }
0x6a: {  	[tilespmem:s26], [sflag:$0x1] =	stream.indirect_vreg.gather [hbm4b:s6+s2], $0x80, v4, vm0, $0xb8;
	[tilespmem:$0x10080] =	vst v63  }
0x6b: {  	_ = 	snop  }
0x6c: {  	[tilespmem:s28], [sflag:$0x1] =	stream.indirect_vreg.gather [hbm4b:s3+s2], $0x80, v3, vm0, $0xb8;
	[tilespmem:$0x10080] =	vst v63  }
0x6d: {  	_ = 	snop  }
0x6e: {  	[tilespmem:s29], [sflag:$0x1] =	stream.indirect_vreg.gather [hbm4b:s4+s2], $0x80, v3, vm0, $0xb8;
	[tilespmem:$0x10080] =	vst v63  }
0x6f: {  	_ = 	snop  }
0x70: {  	[tilespmem:s30], [sflag:$0x1] =	stream.indirect_vreg.gather [hbm4b:s5+s2], $0x80, v3, vm0, $0xb8;
	[tilespmem:$0x10080] =	vst v63  }
0x71: {  	_ = 	snop  }
0x72: {  	[tilespmem:s31], [sflag:$0x1] =	stream.indirect_vreg.gather [hbm4b:s6+s2], $0x80, v3, vm0, $0xb8;
	[tilespmem:$0x10080] =	vst v63  }
0x73: {  	_ =	swait.ge [sflag:s1], $0x10000  }
0x74: {  	p0 =	sne.s32 s7, $0x1;
	[sflag:s1] =	ssyncset.done $0x0  }
.Ltmp0:
0x75: {  	s10 =	rddreg [dreg:$0x4];
	[sflag:s1] =	ssyncadd.s32 $0xFFFF0000;
	(pc) =	sbr.rel @p0 .LBB2_1-.Ltmp0, $4  }
0x76: {  	[hbm4b:s10+s2] =	stream.linear.scatter [tilespmem:s9], [sflag:$0x2], $0x10000, $0x38;
	[tilespmem:$0x10080] =	vst v63  }
0x77: {  	_ =	swait.ge [sflag:s8], $0x10000  }
0x78: {  	[sflag:s8] =	ssyncset.done $0x0  }
0x79: {  	s7 =	sadd.s32 $0xFFFFFFFF, s7;
	[sflag:s8] =	ssyncadd.s32 $0xFFFF0000  }
0x7a: {  	_ =	sfence.sel $0x180000  }
0x7b: {  	[bflag:$0x0] =	sbarrier.arrive $0xFFFF  }
0x7c: {  	_ =	strace $0x9000004A  }
0x7d: {  	s0 =	stileid.u32;
	[bflag:$0x2] =	sbarrier.arrive $0xFFFF  }
0x7e: {  	p0 =	sne.s32 s0, $0x0;
	s0 =	rddreg [dreg:$0x2]  }
0x7f: {  	s0 =	sadd.s32 @!p0 $0x100000, s0  }
0x80: {  	[sflag:s0] =	ssyncadd.tile.s32 @!p0 $0x1;
	_ =	shalt  }
.Lfunc_end2:
_tile_overlayer_lowered:
.L_overlay_start_2:
0x81: {  	(tag) =	ssettag $0x2  }
0x82: {  	s0 =	rddreg [dreg:$0x0];
	s2 =	stileid.u32  }
0x83: {  	s1 =	rddreg [dreg:$0x1];
	p0 =	sne.s32 s2, $0x0  }
0x84: {  	s3 =	rddreg [dreg:$0x2];
	[bflag:$0x3] =	sbarrier.arrive $0xFFFF;
	s2 =	simm.s32 @!p0 $0x1C02  }
0x85: {  	[timem:s3], [sflag:s2] =	dma.local @!p0 [hbm:s0], s1  }
0x86: {  	s0 =	simm.s32 @!p0 $0x2  }
0x87: {  	_ =	swait.ge @!p0 [sflag:s0], s1  }
0x88: {  	s1 =	ssub.s32 @!p0 $0x0, s1;
	[sflag:s0] =	ssyncset.done @!p0 $0x0  }
0x89: {  	[sflag:s0] =	ssyncadd.s32 @!p0 s1  }
0x8a: {  	[bflag:$0x3] =	sbarrier.arrive $0xFFFF  }
0x8b: {  	_ =	shalt  }

// kernel: kernel.7.cloned.1.call-start
scs
__scs_entry_jumppad:
0x0: {  	(pc) =	sbr.rel $0x88, $3  }
0x1: {  	(tag) =	ssettag $0x0;
	lr =	simm.s32 $0x1  }
0x2: {  	[smem:$0x3F9A] =	sst lr;
	_ =	strace $0xD0000000  }
0x3: {  	_ = 	snop  }
0x4: {  	_ = 	snop  }
0x5: {  	_ = 	snop  }
0x6: {  	_ = 	snop  }
0x7: {  	_ = 	snop  }
__scs_overlays_trampoline_lowered:
0x8: {  	[smem:$0x3FA9] =	sst s0  }
0x9: {  	[smem:$0x3FAA] =	sst s1  }
0xa: {  	[smem:$0x3FAB] =	sst s2  }
0xb: {  	[smem:$0x3FAC] =	sst s3  }
0xc: {  	[smem:$0x3FAD] =	sst s4  }
0xd: {  	[smem:$0x3FAE] =	sst s5  }
0xe: {  	[smem:$0x3FAF] =	sst s6  }
0xf: {  	[smem:$0x3FB0] =	sst s7  }
0x10: {  	[smem:$0x3FB1] =	sst s8  }
0x11: {  	[smem:$0x3FB2] =	sst s9;
	s0 =	simm.s32 @!p0 $0x0  }
0x12: {  	s1 =	sld [smem:$0x3F98];
	s0 =	simm.s32 @p0 $0x1  }
0x13: {  	[smem:$0x3FB3] =	sst s0;
	s0 =	simm.s32 @!p1 $0x0  }
0x14: {  	s2 =	sld [smem:$0x3F97];
	s0 =	simm.s32 @p1 $0x1  }
0x15: {  	[smem:$0x3FB4] =	sst s0;
	s0 =	simm.s32 @!p2 $0x0  }
0x16: {  	s3 =	sld [smem:$0x3FDB];
	s0 =	simm.s32 @p2 $0x1  }
0x17: {  	s4 =	simm.s32 $0x1BF5;
	[smem:$0x3FB6] =	sst s0  }
0x18: {  	s0 =	sld [smem:$0x3F99];
	_ =	swait.ge [sflag:s4], $0x0  }
0x19: {  	s7 =	sld [smem:$0x3F9A]  }
0x1a: {  	s8 =	sadd.s32 $0xFFFFE003, lr  }
0x1b: {  	s9 =	sadd.s32 $0xFFFFFEF7, lr;
	s5 =	simm.s32 $0xFFFFFFFF;
	p2 =	slt.u32 s8, $0xFFFFF086  }
0x1c: {  	p1 =	slt.u32 s9, $0xF7A;
	s5 =	simm.s32 @!p2 $0x0  }
0x1d: {  	s5 =	simm.s32 @p1 $0x1;
	p0 =	seq.s32 s7, s2  }
0x1e: {  	s7 =	smul.u32 @!p0 $0xF7A, s2;
	p2 =	seq.s32 @!p0 s5, $0x0  }
0x1f: {  	s9 =	smul.u32 $0xF7A, s1;
	s8 =	simm.s32 @!p0 $0x1BF5;
	p2 =	por !p2, p0  }
0x20: {  	[sflag:s8] =	ssyncset.s32 @!p0 $0xFFFFF086;
	s6 =	sadd.s32 @!p0 s3, s7;
	s7 =	simm.s32 @!p0 $0x108  }
0x21: {  	s3 =	sadd.s32 s3, s9;
	s6 =	sadd.s32 @!p0 $0x88, s6;
	s7 =	simm.s32 @p2 $0x1082  }
0x22: {  	[simem:s7], [sflag:s8] =	dma.local @!p0 [hbm:s6], $0xF7A  }
0x23: {  	s9 =	sor.u32 $0xD0000000, s2;
	s6 =	simm.s32 $0x108;
	_ =	swait.ge @!p0 [sflag:s8], $0x0  }
0x24: {  	s3 =	sadd.s32 $0x88, s3;
	s6 =	simm.s32 @!p1 $0x1082;
	[sflag:s4] =	ssyncset.s32 $0xFFFFF086  }
0x25: {  	[simem:s6], [sflag:s4] =	dma.local [hbm:s3], $0xF7A  }
0x26: {  	[smem:$0x3F9A] =	sst s1;
	(tag) =	ssettag s2;
	_ =	strace s9  }
0x27: {  	s1 =	sld [smem:$0x3FAA]  }
0x28: {  	s2 =	sld [smem:$0x3FAB]  }
0x29: {  	s4 =	sld [smem:$0x3FAD]  }
0x2a: {  	p0 =	seq.s32 s5, $0x0;
	s5 =	sld [smem:$0x3FAE]  }
0x2b: {  	s6 =	sld [smem:$0x3FAF]  }
0x2c: {  	s7 =	sld [smem:$0x3FB0]  }
0x2d: {  	s3 =	simm.s32 $0x108;
	s8 =	sld [smem:$0x3FB1]  }
0x2e: {  	s3 =	simm.s32 @!p0 $0x1082;
	s9 =	sld [smem:$0x3FB2]  }
0x2f: {  	lr =	sadd.s32 s0, s3;
	s0 =	sld [smem:$0x3FA9]  }
0x30: {  	s3 =	sld [smem:$0x3FAC]  }
0x31: {  	[smem:$0x3FB5] =	sst s10  }
0x32: {  	s10 =	sld [smem:$0x3FB3];
	_ =	sdelay $0x3  }
0x33: {  	p0 =	seq.s32 s10, $0x1;
	s10 =	sld [smem:$0x3FB5];
	_ =	sdelay $0x3  }
0x34: {  	[smem:$0x3FB5] =	sst s10  }
0x35: {  	s10 =	sld [smem:$0x3FB4];
	_ =	sdelay $0x3  }
0x36: {  	p1 =	seq.s32 s10, $0x1;
	s10 =	sld [smem:$0x3FB5];
	_ =	sdelay $0x3  }
0x37: {  	[smem:$0x3FB5] =	sst s10  }
0x38: {  	s10 =	sld [smem:$0x3FB6]  }
0x39: {  	_ = 	snop;
	(pc) =	sbr.ind lr, $3  }
0x3a: {  	_ = 	snop  }
0x3b: {  	_ = 	snop  }
0x3c: {  	p2 =	seq.s32 s10, $0x1;
	s10 =	sld [smem:$0x3FB5]  }
0x3d: {  	_ =	shalt  }
0x3e: {  	_ =	shalt  }
0x3f: {  	_ =	shalt  }
0x40: {  	_ =	shalt  }
0x41: {  	_ =	shalt  }
0x42: {  	_ =	shalt  }
0x43: {  	_ =	shalt  }
0x44: {  	_ =	shalt  }
0x45: {  	_ =	shalt  }
0x46: {  	_ =	shalt  }
0x47: {  	_ =	shalt  }
0x48: {  	_ =	shalt  }
0x49: {  	_ =	shalt  }
0x4a: {  	_ =	shalt  }
0x4b: {  	_ =	shalt  }
0x4c: {  	_ =	shalt  }
0x4d: {  	_ =	shalt  }
0x4e: {  	_ =	shalt  }
0x4f: {  	_ =	shalt  }
0x50: {  	_ =	shalt  }
0x51: {  	_ =	shalt  }
0x52: {  	_ =	shalt  }
0x53: {  	_ =	shalt  }
0x54: {  	_ =	shalt  }
0x55: {  	_ =	shalt  }
0x56: {  	_ =	shalt  }
0x57: {  	_ =	shalt  }
0x58: {  	_ =	shalt  }
0x59: {  	_ =	shalt  }
0x5a: {  	_ =	shalt  }
0x5b: {  	_ =	shalt  }
0x5c: {  	_ =	shalt  }
0x5d: {  	_ =	shalt  }
0x5e: {  	_ =	shalt  }
0x5f: {  	_ =	shalt  }
0x60: {  	_ =	shalt  }
0x61: {  	_ =	shalt  }
0x62: {  	_ =	shalt  }
0x63: {  	_ =	shalt  }
0x64: {  	_ =	shalt  }
0x65: {  	_ =	shalt  }
0x66: {  	_ =	shalt  }
0x67: {  	_ =	shalt  }
0x68: {  	_ =	shalt  }
0x69: {  	_ =	shalt  }
0x6a: {  	_ =	shalt  }
0x6b: {  	_ =	shalt  }
0x6c: {  	_ =	shalt  }
0x6d: {  	_ =	shalt  }
0x6e: {  	_ =	shalt  }
0x6f: {  	_ =	shalt  }
0x70: {  	_ =	shalt  }
0x71: {  	_ =	shalt  }
0x72: {  	_ =	shalt  }
0x73: {  	_ =	shalt  }
0x74: {  	_ =	shalt  }
0x75: {  	_ =	shalt  }
0x76: {  	_ =	shalt  }
0x77: {  	_ =	shalt  }
0x78: {  	_ =	shalt  }
0x79: {  	_ =	shalt  }
0x7a: {  	_ =	shalt  }
0x7b: {  	_ =	shalt  }
0x7c: {  	_ =	shalt  }
0x7d: {  	_ =	shalt  }
0x7e: {  	_ =	shalt  }
0x7f: {  	_ =	shalt  }
0x80: {  	_ =	shalt  }
0x81: {  	_ =	shalt  }
0x82: {  	_ =	shalt  }
0x83: {  	_ =	shalt  }
0x84: {  	_ =	shalt  }
0x85: {  	_ =	shalt  }
0x86: {  	_ =	shalt  }
0x87: {  	_ =	shalt  }
.Lfunc_end0:
.L_simem_size_0:
called_computation_lowered:
.L_overlay_start_0:
0x88: {  	s2 =	sld [smem:$0x3FD9]  }
0x89: {  	s3 =	sld [smem:$0x3FFE];
	_ =	sdelay $0x1  }
0x8a: {  	s1 =	srdreg.scid  }
0x8b: {  	s0 =	sand.u32 $0x1, s1  }
0x8c: {  	s14 =	sshll.u32 s0, $0xA;
	s2 =	sadd.s32 s3, s2  }
0x8d: {  	s2 =	sadd.s32 s2, s14  }
0x8e: {  	[smem:$0x3FC1] =	sst s2  }
0x8f: {  	_ = 	snop  }
0x90: {  	s2 =	sld [smem:$0x3FD0];
	_ =	sdelay $0x2  }
0x91: {  	s4 =	simm.s32 $0xA;
	s5 =	simm.s32 $0x10;
	s15 =	sld [smem:$0x3FC9]  }
0x92: {  	[smem:s5], [sflag:s4] =	dma.local [hbm:s2], $0x1  }
0x93: {  	_ =	swait.eq [sflag:s4], $0x1  }
0x94: {  	[sflag:s4] =	ssyncset.done $0x0  }
0x95: {  	[sflag:s4] =	ssyncadd.s32 $0xFFFFFFFF  }
0x96: {  	s16 =	sld [smem:$0x10];
	(tm) =	ssettm $0x1  }
0x97: {  	s17 =	sld [smem:$0x3FFB];
	_ =	sdelay $0x3  }
0x98: {  	_ =	strace s17  }
0x99: {  	s4 =	sld [smem:$0x3FFC];
	_ =	sdelay $0x3  }
0x9a: {  	_ =	strace s4  }
0x9b: {  	s4 =	sld [smem:$0x3FFD];
	_ =	sdelay $0x3  }
0x9c: {  	_ =	strace s4  }
0x9d: {  	_ =	strace $0x8FFFFFFF  }
0x9e: {  	s18 =	sld [smem:$0x3FDB];
	_ =	sdelay $0x1  }
0x9f: {  	s19 =	simm.s32 $_scs_section_size  }
0xa0: {  	s6 =	simm.s32 $_size__tile_overlayer_lowered;
	s7 =	simm.s32 $_tile_overlayer_lowered  }
0xa1: {  	s22 =	simm.s32 $0x1BFF;
	s21 =	sshll.u32 s7, $0x1;
	s4 =	sadd.s32 s19, s18  }
0xa2: {  	s8 =	simm.s32 $0x0;
	s20 =	sshll.u32 s6, $0x1;
	s6 =	sadd.s32 s21, s4  }
0xa3: {  	[timem:s8], [sflag:s22] =	dma.local [hbm:s6], s20  }
0xa4: {  	_ =	swait.ge [sflag:s22], s20  }
0xa5: {  	s5 =	ssub.s32 $0x0, s20;
	[sflag:s22] =	ssyncset.done $0x0  }
0xa6: {  	[sflag:s22] =	ssyncadd.s32 s5;
	_ =	sdelay $0x1  }
0xa7: {  	s23 =	simm.s32 $0x1B8B  }
0xa8: {  	_ =	swait.ge [sflag:s23], $0x1  }
0xa9: {  	[sflag:s23] =	ssyncset.done $0x0  }
0xaa: {  	s25 =	simm.s32 $0x1B8E;
	s24 =	sld [smem:$0x3FFE];
	[sflag:s23] =	ssyncadd.s32 $0xFFFFFFFF  }
0xab: {  	s26 =	simm.s32 $execute0_lowered;
	[smem:$0x3FD2] =	sst s25  }
0xac: {  	s6 =	sshll.u32 s26, $0x1;
	_ =	strace $0x80000046;
	[dreg:$0x1] =	wrdreg $0xFFFFFFFF  }
0xad: {  	s28 =	simm.s32 $_size_execute0_lowered;
	s4 =	sadd.s32 s4, s6;
	[dreg:$0x0] =	wrdreg $0x0  }
0xae: {  	s6 =	sshll.u32 s28, $0x1;
	[dreg:$0x2] =	wrdreg s4  }
0xaf: {  	[dreg:$0x3] =	wrdreg s6  }
0xb0: {  	[dreg:$0x4] =	wrdreg $0xC0  }
0xb1: {  	_ =	task [dreg:s8], $0x5FFFF  }
0xb2: {  	[dreg:$0x1] =	wrdreg $0xFFFFFFFF  }
0xb3: {  	[dreg:$0x0] =	wrdreg $0x60  }
0xb4: {  	[dreg:$0x2] =	wrdreg s15  }
0xb5: {  	[dreg:$0x3] =	wrdreg s16  }
0xb6: {  	[dreg:$0x4] =	wrdreg s24  }
0xb7: {  	[dreg:$0x5] =	wrdreg $0x9  }
0xb8: {  	_ =	task.clear_ibuf [dreg:s8], $0x6FFFF;
	_ =	strace $0x90000046  }
0xb9: {  	s29 =	simm.s32 $0x9;
	_ =	strace $0x80000048  }
0xba: {  	_ =	swait.ge [sflag:s29], $0x1  }
0xbb: {  	[sflag:s29] =	ssyncadd.s32 $0xFFFFFFFF  }
0xbc: {  	_ =	strace $0x90000048  }
0xbd: {  	_ =	sfence  }
0xbe: {  	s30 =	sld [smem:$0x0];
	_ =	sdelay $0x2  }
0xbf: {  	s31 =	sshll.u32 s1, $0xD;
	s1 =	sshrl.u32 s1, $0x2  }
0xc0: {  	s3 =	sand.u32 $0x4000, s31;
	s1 =	sadd.s32 s1, s30  }
0xc1: {  	s0 =	sor.u32 s3, s0;
	s1 =	sshll.u32 s1, $0x11  }
0xc2: {  	s0 =	sor.u32 s1, s0  }
0xc3: {  	s0 =	sadd.s32 $0x8F2B, s0  }
0xc4: {  	[sflag:s0] =	ssyncadd.remote.s32 $0x1  }
0xc5: {  	_ =	sfence.sel $0xFFFF  }
0xc6: {  	[dreg:$0x0] =	wrdreg $0xFFFFFFFF;
	(pc) =	sbr.abs _section_cstart, $3  }
0xc7: {  	[dreg:$0x1] =	wrdreg $0xFFFFFFFF  }
0xc8: {  	_ =	task.clear_ibuf [dreg:s8], $0x2FFFF;
	_ =	strace $0x9FFFFFFF  }
0xc9: {  	(tm) =	ssettm $0x7FFFFFFF  }
tec
execute0_lowered:
.L_overlay_start_1:
0x0: {  	(tag) =	ssettag $0x1  }
0x1: {  	s2 =	srdreg.scid  }
0x2: {  	s0 =	stileid.u32;
	s1 =	rddreg [dreg:$0x0]  }
0x3: {  	s4 =	rddreg [dreg:$0x1];
	s2 =	sand.u32 $0x1, s2;
	s3 =	sshll.u32 s0, $0x1  }
0x4: {  	s6 =	rddreg [dreg:$0x2];
	s5 =	sor.u32 s2, s3;
	s3 =	simm.s32 $0x0  }
0x5: {  	s9 =	simm.s32 $0x880;
	[smem:$0x7FF] =	sst s3  }
0x6: {  	s10 =	simm.s32 $0x1080;
	_ =	strace $0x80000047;
	[dreg:$0x6] =	wrdreg s9  }
0x7: {  	s11 =	simm.s32 $0x1880;
	[dreg:$0x7] =	wrdreg s10  }
0x8: {  	s12 =	simm.s32 $0x2080;
	[dreg:$0x8] =	wrdreg s11  }
0x9: {  	s13 =	simm.s32 $0x2880;
	[dreg:$0x9] =	wrdreg s12  }
0xa: {  	s14 =	simm.s32 $0x3080;
	[dreg:$0xa] =	wrdreg s13  }
0xb: {  	s15 =	simm.s32 $0x3880;
	[dreg:$0xb] =	wrdreg s14  }
0xc: {  	s16 =	simm.s32 $0x4080;
	s17 =	simm.s32 $0x4880;
	[dreg:$0xc] =	wrdreg s15  }
0xd: {  	s18 =	simm.s32 $0x5080;
	s19 =	simm.s32 $0x5880;
	[dreg:$0xd] =	wrdreg s16  }
0xe: {  	s21 =	simm.s32 $0x6080;
	s22 =	simm.s32 $0x6880;
	[dreg:$0xe] =	wrdreg s17  }
0xf: {  	s23 =	simm.s32 $0x7080;
	s24 =	simm.s32 $0x7880;
	[dreg:$0xf] =	wrdreg s18  }
0x10: {  	s25 =	simm.s32 $0x8880;
	s26 =	simm.s32 $0x9080;
	[dreg:$0x10] =	wrdreg s19  }
0x11: {  	s28 =	simm.s32 $0x12080;
	s29 =	simm.s32 $0x12880;
	[dreg:$0x11] =	wrdreg s21  }
0x12: {  	s30 =	simm.s32 $0x13080;
	s31 =	simm.s32 $0x13880;
	[dreg:$0x12] =	wrdreg s22  }
0x13: {  	s2 =	ssub.s32 $0x2, s2;
	s7 =	smul.u32 $0x2800, s5;
	[dreg:$0x13] =	wrdreg s23  }
0x14: {  	s5 =	smul.u32 $0xA, s5;
	s20 =	sshrl.u32 s2, $0x1;
	[dreg:$0x14] =	wrdreg s24  }
0x15: {  	s2 =	ssub.s32 s2, s20;
	[dreg:$0x16] =	wrdreg s25;
	s9 =	simm.s32 $0x80  }
0x16: {  	[dreg:$0x17] =	wrdreg s26;
	s11 =	simm.s32 $0xA080;
	s12 =	simm.s32 $0xA880  }
0x17: {  	s13 =	simm.s32 $0xB080;
	s14 =	simm.s32 $0xB880;
	s15 =	simm.s32 $0xC080  }
0x18: {  	s16 =	simm.s32 $0xC880;
	s17 =	simm.s32 $0xD080;
	s18 =	simm.s32 $0xD880  }
0x19: {  	s19 =	simm.s32 $0xE080;
	s20 =	simm.s32 $0xE880;
	s21 =	simm.s32 $0xF080  }
0x1a: {  	s22 =	simm.s32 $0xF880;
	s23 =	simm.s32 $0x10080;
	s24 =	simm.s32 $0x10880  }
0x1b: {  	s25 =	simm.s32 $0x11080;
	s26 =	simm.s32 $0x11880;
	s6 =	sadd.s32 s7, s6  }
0x1c: {  	s4 =	sadd.s32 s4, s5;
	s5 =	sadd.s32 $0x200, s1;
	s7 =	smax.u32 s2, $0x1  }
0x1d: {  	v2 =	vlaneseq.u32;
	s2 =	simm.s32 $0x1;
	[dreg:$0x4] =	wrdreg s4;
	s8 =	sadd.s32 $0x9A00, s6  }
0x1e: {  	vm0 =	vmmov $0xffff;
	v1 =	vshrl.u32 v2, $0x3;
	s4 =	sadd.s32 $0x100, s1;
	[dreg:$0x5] =	wrdreg s8;
	s8 =	simm.s32 $0x8080  }
0x1f: {  	v0 =	vand.u32 $0x7, v2;
	v2 =	vor.u32 $0x8, v2;
	v1 =	vmul.u32 $0x8, v1;
	s6 =	sadd.s32 $0x300, s1;
	[dreg:$0x15] =	wrdreg s8;
	s8 =	simm.s32 $0x2  }
.LBB2_1:
0x20: {  	s0 =	rddreg [dreg:$0x4]  }
0x21: {  	[tilespmem:s3], [sflag:$0x2] =	stream.linear.gather [hbm4b:s0+s3], $0x50, $0x38;
	[tilespmem:$0x14080] =	vst v63  }
0x22: {  	_ =	swait.ge [sflag:s8], $0x50  }
0x23: {  	[sflag:s8] =	ssyncset.done $0x0  }
0x24: {  	[sflag:s8] =	ssyncadd.s32 $0xFFFFFFB0  }
0x25: {  	v3 =	vld [tilespmem:$0x0];
	_ =	sdelay $0x4  }
0x26: {  	v4 =	vshll.u32 v3, $0x3  }
0x27: {  	v3 =	vand.u32 $0x7, v3;
	v4 =	vand.u32 $0xFFFFFFC0, v4  }
0x28: {  	v3 =	vor.u32 v3, v4  }
0x29: {  	v4 =	vperm.xlane v3, v0;
	_ =	sdelay $0x1  }
0x2a: {  	v4 =	vadd.s32 v1, v4;
	_ =	sdelay $0x4  }
0x2b: {  	[tilespmem:s9], [sflag:$0x1] =	stream.indirect_vreg.gather [hbm4b:s1+s3], $0x80, v4, vm0, $0xb8;
	[tilespmem:$0x14080] =	vst v63  }
0x2c: {  	s0 =	rddreg [dreg:$0x6];
	v3 =	vperm.xlane v3, v2  }
0x2d: {  	[tilespmem:s0], [sflag:$0x1] =	stream.indirect_vreg.gather [hbm4b:s4+s3], $0x80, v4, vm0, $0xb8;
	[tilespmem:$0x14080] =	vst v63  }
0x2e: {  	s10 =	rddreg [dreg:$0x7];
	v3 =	vadd.s32 v1, v3  }
0x2f: {  	[tilespmem:s10], [sflag:$0x1] =	stream.indirect_vreg.gather [hbm4b:s5+s3], $0x80, v4, vm0, $0xb8;
	[tilespmem:$0x14080] =	vst v63  }
0x30: {  	s0 =	rddreg [dreg:$0x8]  }
0x31: {  	[tilespmem:s0], [sflag:$0x1] =	stream.indirect_vreg.gather [hbm4b:s6+s3], $0x80, v4, vm0, $0xb8;
	[tilespmem:$0x14080] =	vst v63  }
0x32: {  	s10 =	rddreg [dreg:$0x9]  }
0x33: {  	[tilespmem:s10], [sflag:$0x1] =	stream.indirect_vreg.gather [hbm4b:s1+s3], $0x80, v3, vm0, $0xb8;
	[tilespmem:$0x14080] =	vst v63  }
0x34: {  	s0 =	rddreg [dreg:$0xa]  }
0x35: {  	[tilespmem:s0], [sflag:$0x1] =	stream.indirect_vreg.gather [hbm4b:s4+s3], $0x80, v3, vm0, $0xb8;
	[tilespmem:$0x14080] =	vst v63  }
0x36: {  	s10 =	rddreg [dreg:$0xb]  }
0x37: {  	[tilespmem:s10], [sflag:$0x1] =	stream.indirect_vreg.gather [hbm4b:s5+s3], $0x80, v3, vm0, $0xb8;
	[tilespmem:$0x14080] =	vst v63  }
0x38: {  	s0 =	rddreg [dreg:$0xc]  }
0x39: {  	[tilespmem:s0], [sflag:$0x1] =	stream.indirect_vreg.gather [hbm4b:s6+s3], $0x80, v3, vm0, $0xb8;
	[tilespmem:$0x14080] =	vst v63  }
0x3a: {  	v3 =	vld [tilespmem:$0x10];
	_ =	sdelay $0x4  }
0x3b: {  	v60 =	vshll.u32 v3, $0x3  }
0x3c: {  	v3 =	vand.u32 $0x7, v3;
	v4 =	vand.u32 $0xFFFFFFC0, v60  }
0x3d: {  	v3 =	vor.u32 v3, v4  }
0x3e: {  	v4 =	vperm.xlane v3, v0;
	_ =	sdelay $0x1  }
0x3f: {  	v4 =	vadd.s32 v1, v4;
	_ =	sdelay $0x3  }
0x40: {  	s0 =	rddreg [dreg:$0xd]  }
0x41: {  	[tilespmem:s0], [sflag:$0x1] =	stream.indirect_vreg.gather [hbm4b:s1+s3], $0x80, v4, vm0, $0xb8;
	[tilespmem:$0x14080] =	vst v63  }
0x42: {  	s10 =	rddreg [dreg:$0xe];
	v3 =	vperm.xlane v3, v2  }
0x43: {  	[tilespmem:s10], [sflag:$0x1] =	stream.indirect_vreg.gather [hbm4b:s4+s3], $0x80, v4, vm0, $0xb8;
	[tilespmem:$0x14080] =	vst v63  }
0x44: {  	v3 =	vadd.s32 v1, v3;
	s0 =	rddreg [dreg:$0xf]  }
0x45: {  	[tilespmem:s0], [sflag:$0x1] =	stream.indirect_vreg.gather [hbm4b:s5+s3], $0x80, v4, vm0, $0xb8;
	[tilespmem:$0x14080] =	vst v63  }
0x46: {  	s10 =	rddreg [dreg:$0x10]  }
0x47: {  	[tilespmem:s10], [sflag:$0x1] =	stream.indirect_vreg.gather [hbm4b:s6+s3], $0x80, v4, vm0, $0xb8;
	[tilespmem:$0x14080] =	vst v63  }
0x48: {  	s0 =	rddreg [dreg:$0x11]  }
0x49: {  	[tilespmem:s0], [sflag:$0x1] =	stream.indirect_vreg.gather [hbm4b:s1+s3], $0x80, v3, vm0, $0xb8;
	[tilespmem:$0x14080] =	vst v63  }
0x4a: {  	s10 =	rddreg [dreg:$0x12]  }
0x4b: {  	[tilespmem:s10], [sflag:$0x1] =	stream.indirect_vreg.gather [hbm4b:s4+s3], $0x80, v3, vm0, $0xb8;
	[tilespmem:$0x14080] =	vst v63  }
0x4c: {  	s0 =	rddreg [dreg:$0x13]  }
0x4d: {  	[tilespmem:s0], [sflag:$0x1] =	stream.indirect_vreg.gather [hbm4b:s5+s3], $0x80, v3, vm0, $0xb8;
	[tilespmem:$0x14080] =	vst v63  }
0x4e: {  	s10 =	rddreg [dreg:$0x14]  }
0x4f: {  	[tilespmem:s10], [sflag:$0x1] =	stream.indirect_vreg.gather [hbm4b:s6+s3], $0x80, v3, vm0, $0xb8;
	[tilespmem:$0x14080] =	vst v63  }
0x50: {  	v3 =	vld [tilespmem:$0x20];
	_ =	sdelay $0x4  }
0x51: {  	v61 =	vshll.u32 v3, $0x3  }
0x52: {  	v3 =	vand.u32 $0x7, v3;
	v4 =	vand.u32 $0xFFFFFFC0, v61  }
0x53: {  	v3 =	vor.u32 v3, v4  }
0x54: {  	v4 =	vperm.xlane v3, v0;
	_ =	sdelay $0x1  }
0x55: {  	v4 =	vadd.s32 v1, v4;
	_ =	sdelay $0x3  }
0x56: {  	s0 =	rddreg [dreg:$0x15]  }
0x57: {  	[tilespmem:s0], [sflag:$0x1] =	stream.indirect_vreg.gather [hbm4b:s1+s3], $0x80, v4, vm0, $0xb8;
	[tilespmem:$0x14080] =	vst v63  }
0x58: {  	s10 =	rddreg [dreg:$0x16];
	v3 =	vperm.xlane v3, v2  }
0x59: {  	[tilespmem:s10], [sflag:$0x1] =	stream.indirect_vreg.gather [hbm4b:s4+s3], $0x80, v4, vm0, $0xb8;
	[tilespmem:$0x14080] =	vst v63  }
0x5a: {  	v3 =	vadd.s32 v1, v3;
	s0 =	rddreg [dreg:$0x17]  }
0x5b: {  	[tilespmem:s0], [sflag:$0x1] =	stream.indirect_vreg.gather [hbm4b:s5+s3], $0x80, v4, vm0, $0xb8;
	[tilespmem:$0x14080] =	vst v63  }
0x5c: {  	s10 =	simm.s32 $0x9880  }
0x5d: {  	[tilespmem:s10], [sflag:$0x1] =	stream.indirect_vreg.gather [hbm4b:s6+s3], $0x80, v4, vm0, $0xb8;
	[tilespmem:$0x14080] =	vst v63  }
0x5e: {  	_ = 	snop  }
0x5f: {  	[tilespmem:s11], [sflag:$0x1] =	stream.indirect_vreg.gather [hbm4b:s1+s3], $0x80, v3, vm0, $0xb8;
	[tilespmem:$0x14080] =	vst v63  }
0x60: {  	_ = 	snop  }
0x61: {  	[tilespmem:s12], [sflag:$0x1] =	stream.indirect_vreg.gather [hbm4b:s4+s3], $0x80, v3, vm0, $0xb8;
	[tilespmem:$0x14080] =	vst v63  }
0x62: {  	_ = 	snop  }
0x63: {  	[tilespmem:s13], [sflag:$0x1] =	stream.indirect_vreg.gather [hbm4b:s5+s3], $0x80, v3, vm0, $0xb8;
	[tilespmem:$0x14080] =	vst v63  }
0x64: {  	_ = 	snop  }
0x65: {  	[tilespmem:s14], [sflag:$0x1] =	stream.indirect_vreg.gather [hbm4b:s6+s3], $0x80, v3, vm0, $0xb8;
	[tilespmem:$0x14080] =	vst v63  }
0x66: {  	v3 =	vld [tilespmem:$0x30];
	_ =	sdelay $0x4  }
0x67: {  	v62 =	vshll.u32 v3, $0x3  }
0x68: {  	v3 =	vand.u32 $0x7, v3;
	v4 =	vand.u32 $0xFFFFFFC0, v62  }
0x69: {  	v3 =	vor.u32 v3, v4  }
0x6a: {  	v4 =	vperm.xlane v3, v0;
	_ =	sdelay $0x1  }
0x6b: {  	v4 =	vadd.s32 v1, v4;
	_ =	sdelay $0x4  }
0x6c: {  	[tilespmem:s15], [sflag:$0x1] =	stream.indirect_vreg.gather [hbm4b:s1+s3], $0x80, v4, vm0, $0xb8;
	[tilespmem:$0x14080] =	vst v63  }
0x6d: {  	v3 =	vperm.xlane v3, v2  }
0x6e: {  	[tilespmem:s16], [sflag:$0x1] =	stream.indirect_vreg.gather [hbm4b:s4+s3], $0x80, v4, vm0, $0xb8;
	[tilespmem:$0x14080] =	vst v63  }
0x6f: {  	v3 =	vadd.s32 v1, v3  }
0x70: {  	[tilespmem:s17], [sflag:$0x1] =	stream.indirect_vreg.gather [hbm4b:s5+s3], $0x80, v4, vm0, $0xb8;
	[tilespmem:$0x14080] =	vst v63  }
0x71: {  	_ = 	snop  }
0x72: {  	[tilespmem:s18], [sflag:$0x1] =	stream.indirect_vreg.gather [hbm4b:s6+s3], $0x80, v4, vm0, $0xb8;
	[tilespmem:$0x14080] =	vst v63  }
0x73: {  	_ = 	snop  }
0x74: {  	[tilespmem:s19], [sflag:$0x1] =	stream.indirect_vreg.gather [hbm4b:s1+s3], $0x80, v3, vm0, $0xb8;
	[tilespmem:$0x14080] =	vst v63  }
0x75: {  	_ = 	snop  }
0x76: {  	[tilespmem:s20], [sflag:$0x1] =	stream.indirect_vreg.gather [hbm4b:s4+s3], $0x80, v3, vm0, $0xb8;
	[tilespmem:$0x14080] =	vst v63  }
0x77: {  	_ = 	snop  }
0x78: {  	[tilespmem:s21], [sflag:$0x1] =	stream.indirect_vreg.gather [hbm4b:s5+s3], $0x80, v3, vm0, $0xb8;
	[tilespmem:$0x14080] =	vst v63  }
0x79: {  	_ = 	snop  }
0x7a: {  	[tilespmem:s22], [sflag:$0x1] =	stream.indirect_vreg.gather [hbm4b:s6+s3], $0x80, v3, vm0, $0xb8;
	[tilespmem:$0x14080] =	vst v63  }
0x7b: {  	v3 =	vld [tilespmem:$0x40];
	_ =	sdelay $0x4  }
0x7c: {  	v63 =	vshll.u32 v3, $0x3  }
0x7d: {  	v3 =	vand.u32 $0x7, v3;
	v4 =	vand.u32 $0xFFFFFFC0, v63  }
0x7e: {  	v3 =	vor.u32 v3, v4  }
0x7f: {  	v4 =	vperm.xlane v3, v0;
	_ =	sdelay $0x1  }
0x80: {  	v4 =	vadd.s32 v1, v4;
	_ =	sdelay $0x4  }
0x81: {  	[tilespmem:s23], [sflag:$0x1] =	stream.indirect_vreg.gather [hbm4b:s1+s3], $0x80, v4, vm0, $0xb8;
	[tilespmem:$0x14080] =	vst v63  }
0x82: {  	v3 =	vperm.xlane v3, v2  }
0x83: {  	[tilespmem:s24], [sflag:$0x1] =	stream.indirect_vreg.gather [hbm4b:s4+s3], $0x80, v4, vm0, $0xb8;
	[tilespmem:$0x14080] =	vst v63  }
0x84: {  	v3 =	vadd.s32 v1, v3  }
0x85: {  	[tilespmem:s25], [sflag:$0x1] =	stream.indirect_vreg.gather [hbm4b:s5+s3], $0x80, v4, vm0, $0xb8;
	[tilespmem:$0x14080] =	vst v63  }
0x86: {  	_ = 	snop  }
0x87: {  	[tilespmem:s26], [sflag:$0x1] =	stream.indirect_vreg.gather [hbm4b:s6+s3], $0x80, v4, vm0, $0xb8;
	[tilespmem:$0x14080] =	vst v63  }
0x88: {  	_ = 	snop  }
0x89: {  	[tilespmem:s28], [sflag:$0x1] =	stream.indirect_vreg.gather [hbm4b:s1+s3], $0x80, v3, vm0, $0xb8;
	[tilespmem:$0x14080] =	vst v63  }
0x8a: {  	_ = 	snop  }
0x8b: {  	[tilespmem:s29], [sflag:$0x1] =	stream.indirect_vreg.gather [hbm4b:s4+s3], $0x80, v3, vm0, $0xb8;
	[tilespmem:$0x14080] =	vst v63  }
0x8c: {  	_ = 	snop  }
0x8d: {  	[tilespmem:s30], [sflag:$0x1] =	stream.indirect_vreg.gather [hbm4b:s5+s3], $0x80, v3, vm0, $0xb8;
	[tilespmem:$0x14080] =	vst v63  }
0x8e: {  	_ = 	snop  }
0x8f: {  	[tilespmem:s31], [sflag:$0x1] =	stream.indirect_vreg.gather [hbm4b:s6+s3], $0x80, v3, vm0, $0xb8;
	[tilespmem:$0x14080] =	vst v63  }
0x90: {  	_ =	swait.ge [sflag:s2], $0x14000  }
0x91: {  	p0 =	sne.s32 s7, $0x1;
	[sflag:s2] =	ssyncset.done $0x0  }
.Ltmp0:
0x92: {  	s10 =	rddreg [dreg:$0x5];
	[sflag:s2] =	ssyncadd.s32 $0xFFFEC000;
	(pc) =	sbr.rel @p0 .LBB2_1-.Ltmp0, $4  }
0x93: {  	[hbm4b:s10+s3] =	stream.linear.scatter [tilespmem:s9], [sflag:$0x2], $0x14000, $0x38;
	[tilespmem:$0x14080] =	vst v63  }
0x94: {  	_ =	swait.ge [sflag:s8], $0x14000  }
0x95: {  	[sflag:s8] =	ssyncset.done $0x0  }
0x96: {  	s7 =	sadd.s32 $0xFFFFFFFF, s7;
	[sflag:s8] =	ssyncadd.s32 $0xFFFEC000  }
0x97: {  	_ =	sfence.sel $0x180000  }
0x98: {  	[bflag:$0x0] =	sbarrier.arrive $0xFFFF  }
0x99: {  	_ =	strace $0x90000047  }
0x9a: {  	s0 =	stileid.u32;
	[bflag:$0x2] =	sbarrier.arrive $0xFFFF  }
0x9b: {  	p0 =	sne.s32 s0, $0x0;
	s0 =	rddreg [dreg:$0x3]  }
0x9c: {  	s0 =	sadd.s32 @!p0 $0x100000, s0  }
0x9d: {  	[sflag:s0] =	ssyncadd.tile.s32 @!p0 $0x1;
	_ =	shalt  }
.Lfunc_end2:
_tile_overlayer_lowered:
.L_overlay_start_2:
0x9e: {  	(tag) =	ssettag $0x2  }
0x9f: {  	s0 =	rddreg [dreg:$0x0];
	s2 =	stileid.u32  }
0xa0: {  	s1 =	rddreg [dreg:$0x1];
	p0 =	sne.s32 s2, $0x0  }
0xa1: {  	s3 =	rddreg [dreg:$0x2];
	[bflag:$0x3] =	sbarrier.arrive $0xFFFF;
	s2 =	simm.s32 @!p0 $0x1C02  }
0xa2: {  	[timem:s3], [sflag:s2] =	dma.local @!p0 [hbm:s0], s1  }
0xa3: {  	s0 =	simm.s32 @!p0 $0x2  }
0xa4: {  	_ =	swait.ge @!p0 [sflag:s0], s1  }
0xa5: {  	s1 =	ssub.s32 @!p0 $0x0, s1;
	[sflag:s0] =	ssyncset.done @!p0 $0x0  }
0xa6: {  	[sflag:s0] =	ssyncadd.s32 @!p0 s1  }
0xa7: {  	[bflag:$0x3] =	sbarrier.arrive $0xFFFF  }
0xa8: {  	_ =	shalt  }

</sc_bundles>
